<compile_context>
chip_gen: v7x
topology: tpu7x:2x2x1
jax: 0.10.2.dev20260603
libtpu: 0.0.44.dev20260713+nightly
codegen_flags: <defaults>
</compile_context>

<pallas_src>
import functools
import math

import jax
import jax.numpy as jnp
from jax import lax
from jax.experimental import pallas as pl
from jax.experimental.pallas import tpu as pltpu
from jax.experimental.pallas import tpu_sc as plsc

_NUM_CORES = 2
_NUM_SUBCORES = 16
_NW = _NUM_CORES * _NUM_SUBCORES
_CHUNK = 256


def _table_body(tab_ref, w1_ref, b1_ref, w2_ref, b2_ref, out_ref):
    nb = tab_ref.shape[0]
    h = w2_ref.shape[0]
    hour = lax.broadcasted_iota(jnp.int32, (nb, h), 0).astype(jnp.float32)
    ang = 2.0 * math.pi * hour / 24.0
    s = jnp.sin(ang)
    c = jnp.cos(ang)
    hidden = jnp.maximum(s * w1_ref[0:1, :] + c * w1_ref[1:2, :] + b1_ref[:], 0.0)
    cont = jnp.dot(hidden, w2_ref[:], preferred_element_type=jnp.float32) + b2_ref[:]
    out_ref[:, : tab_ref.shape[1]] = tab_ref[:]
    out_ref[:, tab_ref.shape[1] :] = cont


def _build_table(hour_table, W1, b1, W2, b2):
    nb, e = hour_table.shape
    h = W2.shape[0]
    return pl.pallas_call(
        _table_body,
        out_shape=jax.ShapeDtypeStruct((nb, e + h), jnp.float32),
    )(hour_table, W1, b1.reshape(1, h), W2, b2.reshape(1, h))


_CB = 4


def _make_gather(nbatch, hist, d, nb):
    assert nbatch % (_NW * _CB) == 0
    bpw = nbatch // _NW
    rows = bpw * hist
    crows = _CB * hist
    nchunk = bpw // _CB
    assert nchunk >= 3 and nchunk % 2 == 0
    nfull = crows // 16
    tail = crows % 16
    mesh = plsc.VectorSubcoreMesh(core_axis_name="c", subcore_axis_name="s")

    @functools.partial(
        pl.kernel,
        mesh=mesh,
        compiler_params=pltpu.CompilerParams(needs_layout_passes=False),
        out_type=jax.ShapeDtypeStruct((nbatch, hist, d), jnp.float32),
        scratch_types=[
            pltpu.VMEM((rows,), jnp.int32),
            pltpu.VMEM((nb * d,), jnp.float32),
            pltpu.VMEM((_CB, hist, d), jnp.float32),
            pltpu.VMEM((_CB, hist, d), jnp.float32),
            pltpu.SemaphoreType.DMA,
            pltpu.SemaphoreType.DMA,
        ],
    )
    def gather_kernel(table_hbm, idx_hbm, out_hbm, idx_v, tab_v, buf0, buf1, w0, w1):
        wid = lax.axis_index("s") * _NUM_CORES + lax.axis_index("c")
        base_b = wid * bpw
        pltpu.sync_copy(table_hbm, tab_v)
        pltpu.sync_copy(idx_hbm.at[pl.ds(base_b * hist, rows)], idx_v)
        bufs = (buf0, buf1)
        wsems = (w0, w1)
        iota = lax.broadcasted_iota(jnp.int32, (16,), 0)

        def compute_chunk(c, buf):
            row0 = c * crows

            def group_at(off):
                iv = idx_v[pl.ds(row0 + off, 16)]
                ivs = iv * d
                rv = iota + off
                bv = rv // hist
                tv = rv - bv * hist

                @plsc.parallel_loop(0, d, unroll=16)
                def _k(k):
                    cv = jnp.bitwise_xor(iota, k)
                    vals = plsc.load_gather(tab_v, [ivs + cv])
                    plsc.store_scatter(buf, [bv, tv, cv], vals)

            def group(g, _):
                group_at(g * 16)
                return 0

            lax.fori_loop(0, nfull, group, 0)
            if tail:
                group_at(crows - 16)

        def wb_start(c, b):
            pltpu.async_copy(
                bufs[b], out_hbm.at[pl.ds(base_b + c * _CB, _CB)], wsems[b]
            )

        def wb_wait(b):
            pltpu.make_async_copy(
                bufs[b], out_hbm.at[pl.ds(0, _CB)], wsems[b]
            ).wait()

        for b in range(2):
            compute_chunk(b, bufs[b])
            wb_start(b, b)

        def body(p, _):
            for b in range(2):
                c = 2 * p + b
                wb_wait(b)
                compute_chunk(c, bufs[b])
                wb_start(c, b)
            return 0

        lax.fori_loop(1, nchunk // 2, body, 0)

        for b in range(2):
            wb_wait(b)

    return gather_kernel


def kernel(hours, hour_table, W1, b1, W2, b2):
    table = _build_table(hour_table, W1, b1, W2, b2)
    nb, d = table.shape
    table_flat = table.reshape(-1)
    nbatch, hist = hours.shape
    flat = hours.reshape(-1)
    return _make_gather(nbatch, hist, d, nb)(table_flat, flat)

# --- scband reference (transcript-rebuilt; emitter-appended) ---
"""Pipeline reference for scband-circadian-pattern-encoder-42485816492107 (READ-ONLY COPY).

The authoritative reference and input builder live on the scoring server;
editing this copy changes nothing except your own understanding.
"""

import jax, jax.numpy as jnp
import numpy as np
import math

EMBEDDING_DIM = 128
NUM_BUCKETS = 24
BATCH = 4096
HIST = 50

def setup_inputs(seed: int = 0) -> dict:
    key = jax.random.key(seed)
    k1, k2, k3, k4, k5, k6 = jax.random.split(key, 6)
    hours = jax.random.randint(k1, (BATCH, HIST), 0, NUM_BUCKETS, dtype=jnp.int32)
    hour_table = jax.random.normal(k2, (NUM_BUCKETS, EMBEDDING_DIM), dtype=jnp.float32)
    h = EMBEDDING_DIM // 2
    lim1 = 1.0 / math.sqrt(2.0)
    W1 = jax.random.uniform(k3, (2, h), minval=-lim1, maxval=lim1, dtype=jnp.float32)
    b1 = jax.random.uniform(k4, (h,), minval=-lim1, maxval=lim1, dtype=jnp.float32)
    lim2 = 1.0 / math.sqrt(h)
    W2 = jax.random.uniform(k5, (h, h), minval=-lim2, maxval=lim2, dtype=jnp.float32)
    b2 = jax.random.uniform(k6, (h,), minval=-lim2, maxval=lim2, dtype=jnp.float32)
    return {"hours": hours, "hour_table": hour_table, "W1": W1, "b1": b1, "W2": W2, "b2": b2}

def reference(hours, hour_table, W1, b1, W2, b2):
    original_shape = hours.shape
    hours_flat = hours.reshape(-1)
    hour_emb = jnp.take(hour_table, hours_flat, axis=0)
    hf = hours_flat.astype(jnp.float32)
    phase = jnp.stack([jnp.sin(2.0 * math.pi * hf / 24.0), jnp.cos(2.0 * math.pi * hf / 24.0)], axis=-1)
    hidden = jax.nn.relu(phase @ W1 + b1)
    continuous_emb = hidden @ W2 + b2
    combined = jnp.concatenate([hour_emb, continuous_emb], axis=-1)
    output = combined.reshape(*original_shape, -1)
    return output

if __name__ == "__main__":
    import jax
    _d = setup_inputs()
    print(jax.jit(kernel)(*tuple(_d.values())))

</pallas_src>

<mosaic_0001>
#map = affine_map<(d0, d1) -> (0)>
#map1 = affine_map<(d0, d1) -> (0, 0, 0)>
module attributes {stable_mosaic.version = 14 : i64} {
  func.func @gather_kernel(%arg0: i32, %arg1: i32, %arg2: memref<4608xf32, #tpu.memory_space<hbm>>, %arg3: memref<204800xi32, #tpu.memory_space<hbm>>, %arg4: memref<4096x50x192xf32, #tpu.memory_space<hbm>>, %arg5: memref<6400xi32, #tpu.memory_space<vmem>>, %arg6: memref<4608xf32, #tpu.memory_space<vmem>>, %arg7: memref<4x50x192xf32, #tpu.memory_space<vmem>>, %arg8: memref<4x50x192xf32, #tpu.memory_space<vmem>>, %arg9: memref<!tpu.dma_semaphore, #tpu.memory_space<semaphore_mem>>, %arg10: memref<!tpu.dma_semaphore, #tpu.memory_space<semaphore_mem>>) attributes {dimension_semantics = [#tpu.dimension_semantics<core_parallel>, #tpu.dimension_semantics<subcore_parallel>], iteration_bounds = array<i64: 2, 16>, scalar_prefetch = 0 : i64, scratch_operands = 6 : i64, tpu.core_type = #tpu.core_type<sc_vector_subcore>, window_params = [{transform_indices = #map}, {transform_indices = #map}, {transform_indices = #map1}]} {
    %mul3A = arith.constant 2 : i32
    %mul3A_0 = arith.muli %arg1, %mul3A : i32
    %add3A = arith.addi %mul3A_0, %arg0 : i32
    %mul3A_1 = arith.constant 128 : i32
    %mul3A_2 = arith.muli %add3A, %mul3A_1 : i32
    "tpu.region"() ({
      %run_scoped3A = tpu.sem_alloc : memref<!tpu.dma_semaphore, #tpu.memory_space<semaphore_mem>>
      tpu.enqueue_dma source(%arg2 : memref<4608xf32, #tpu.memory_space<hbm>>) target(%arg6 : memref<4608xf32, #tpu.memory_space<vmem>>) target_semaphore(%run_scoped3A : memref<!tpu.dma_semaphore, #tpu.memory_space<semaphore_mem>>)
      tpu.wait_dma2 semaphore(%run_scoped3A : memref<!tpu.dma_semaphore, #tpu.memory_space<semaphore_mem>>) src(%arg2 : memref<4608xf32, #tpu.memory_space<hbm>>) dst(%arg6 : memref<4608xf32, #tpu.memory_space<vmem>>)
      tpu.yield
    }) : () -> ()
    %mul3A_3 = arith.constant 50 : i32
    %mul3A_4 = arith.muli %mul3A_2, %mul3A_3 : i32
    "tpu.region"() ({
      %run_scoped3A = tpu.sem_alloc : memref<!tpu.dma_semaphore, #tpu.memory_space<semaphore_mem>>
      %dma_start3A_137 = tpu.memref_slice %arg3[%mul3A_4] : memref<204800xi32, #tpu.memory_space<hbm>> -> memref<6400xi32, #tpu.memory_space<hbm>>
      %dma_start3A_138 = tpu.memref_slice %arg3[%mul3A_4] : memref<204800xi32, #tpu.memory_space<hbm>> -> memref<6400xi32, #tpu.memory_space<hbm>>
      tpu.enqueue_dma source(%dma_start3A_138 : memref<6400xi32, #tpu.memory_space<hbm>>) target(%arg5 : memref<6400xi32, #tpu.memory_space<vmem>>) target_semaphore(%run_scoped3A : memref<!tpu.dma_semaphore, #tpu.memory_space<semaphore_mem>>)
      %dma_wait3A_139 = tpu.memref_slice %arg3[%mul3A_4] : memref<204800xi32, #tpu.memory_space<hbm>> -> memref<6400xi32, #tpu.memory_space<hbm>>
      %dma_wait3A_140 = tpu.memref_slice %arg3[%mul3A_4] : memref<204800xi32, #tpu.memory_space<hbm>> -> memref<6400xi32, #tpu.memory_space<hbm>>
      tpu.wait_dma2 semaphore(%run_scoped3A : memref<!tpu.dma_semaphore, #tpu.memory_space<semaphore_mem>>) src(%dma_wait3A_140 : memref<6400xi32, #tpu.memory_space<hbm>>) dst(%arg5 : memref<6400xi32, #tpu.memory_space<vmem>>)
      tpu.yield
    }) : () -> ()
    %iota3A = tpu.iota {dimensions = array<i32: 0>} : vector<16xi32>
    %scan3A = arith.constant 0 : i32
    %scan3A_5 = arith.constant 0 : i32
    %scan3A_6 = arith.constant 12 : i32
    %scan3A_7 = arith.addi %scan3A_5, %scan3A_6 : i32
    %scan3A_8 = arith.constant 1 : i32
    %scan3A_9 = scf.for %scan3A_137 = %scan3A_5 to %scan3A_7 step %scan3A_8 iter_args(%scan3A_138 = %scan3A) -> (i32)  : i32 {
      %mul3A_139 = arith.constant 16 : i32
      %mul3A_140 = arith.muli %scan3A_137, %mul3A_139 : i32
      %add3A_141 = arith.constant 0 : i32
      %add3A_142 = arith.addi %add3A_141, %mul3A_140 : i32
      %get3A_143 = arith.index_cast %add3A_142 : i32 to index
      %get3A_144 = tpu.vector_load %arg5[%get3A_143] {strides = array<i32>} : memref<6400xi32, #tpu.memory_space<vmem>>, vector<16xi32>,
      %mul3A_145 = arith.constant 192 : i32
      %mul3A_146 = vector.broadcast %mul3A_145 : i32 to vector<16xi32>
      %mul3A_147 = arith.muli %get3A_144, %mul3A_146 : vector<16xi32>
      %add3A_148 = vector.broadcast %mul3A_140 : i32 to vector<16xi32>
      %add3A_149 = arith.addi %iota3A, %add3A_148 : vector<16xi32>
      %jit3A_150 = arith.constant 50 : i32
      %div3A_151 = vector.broadcast %jit3A_150 : i32 to vector<16xi32>
      %div3A_152 = arith.divsi %add3A_149, %div3A_151 : vector<16xi32>
      %sign3A_153 = arith.constant 0 : i32
      %sign3A_154 = vector.broadcast %sign3A_153 : i32 to vector<16xi32>
      %sign3A_155 = arith.cmpi sgt, %add3A_149, %sign3A_154 : vector<16xi32>
      %sign3A_156 = arith.extui %sign3A_155 : vector<16xi1> to vector<16xi32>
      %sign3A_157 = arith.constant 0 : i32
      %sign3A_158 = vector.broadcast %sign3A_157 : i32 to vector<16xi32>
      %sign3A_159 = arith.cmpi slt, %add3A_149, %sign3A_158 : vector<16xi32>
      %sign3A_160 = arith.extui %sign3A_159 : vector<16xi1> to vector<16xi32>
      %sign3A_161 = arith.subi %sign3A_156, %sign3A_160 : vector<16xi32>
      %sign3A_162 = arith.constant 0 : i32
      %sign3A_163 = arith.cmpi sgt, %jit3A_150, %sign3A_162 : i32
      %sign3A_164 = arith.extui %sign3A_163 : i1 to i32
      %sign3A_165 = arith.constant 0 : i32
      %sign3A_166 = arith.cmpi slt, %jit3A_150, %sign3A_165 : i32
      %sign3A_167 = arith.extui %sign3A_166 : i1 to i32
      %sign3A_168 = arith.subi %sign3A_164, %sign3A_167 : i32
      %ne3A_169 = vector.broadcast %sign3A_168 : i32 to vector<16xi32>
      %ne3A_170 = arith.cmpi ne, %sign3A_161, %ne3A_169 : vector<16xi32>
      %rem3A_171 = vector.broadcast %jit3A_150 : i32 to vector<16xi32>
      %rem3A_172 = arith.remsi %add3A_149, %rem3A_171 : vector<16xi32>
      %ne3A_173 = arith.constant 0 : i32
      %ne3A_174 = vector.broadcast %ne3A_173 : i32 to vector<16xi32>
      %ne3A_175 = arith.cmpi ne, %rem3A_172, %ne3A_174 : vector<16xi32>
      %and3A_176 = arith.andi %ne3A_170, %ne3A_175 : vector<16xi1>
      %sub3A_177 = arith.constant 1 : i32
      %sub3A_178 = vector.broadcast %sub3A_177 : i32 to vector<16xi32>
      %sub3A_179 = arith.subi %div3A_152, %sub3A_178 : vector<16xi32>
      %select_n3A_180 = arith.select %and3A_176, %sub3A_179, %div3A_152 : vector<16xi1>, vector<16xi32>
      %mul3A_181 = arith.constant 50 : i32
      %mul3A_182 = vector.broadcast %mul3A_181 : i32 to vector<16xi32>
      %mul3A_183 = arith.muli %select_n3A_180, %mul3A_182 : vector<16xi32>
      %sub3A_184 = arith.subi %add3A_149, %mul3A_183 : vector<16xi32>
      %parallel_loop3A_185 = arith.constant 0 : i32
      %parallel_loop3A_186 = arith.constant 192 : i32
      %parallel_loop3A_187 = arith.constant 1 : i32
      scf.for %parallel_loop3A_189 = %parallel_loop3A_185 to %parallel_loop3A_186 step %parallel_loop3A_187  : i32 {
        %parallel_loop3A_190 = vector.broadcast %parallel_loop3A_189 : i32 to vector<16xi32>
        %parallel_loop3A_191 = arith.xori %iota3A, %parallel_loop3A_190 : vector<16xi32>
        %parallel_loop3A_192 = arith.addi %mul3A_147, %parallel_loop3A_191 : vector<16xi32>
        %parallel_loop3A_193 = tpu.vector_load_idx %arg6[%parallel_loop3A_192] : memref<4608xf32, #tpu.memory_space<vmem>>[vector<16xi32>], vector<16xf32>,
        tpu.vector_store_idx %arg7[%select_n3A_180, %sub3A_184, %parallel_loop3A_191], %parallel_loop3A_193 : memref<4x50x192xf32, #tpu.memory_space<vmem>>[vector<16xi32>, vector<16xi32>, vector<16xi32>], vector<16xf32>,
      } {sc.loop_unroll_factor = 16 : i64, sc.parallel_access}
      %scan3A_188 = arith.constant 0 : i32
      scf.yield %scan3A_188 : i32
    }
    %scan3A_10 = arith.constant 12 : i32
    %get3A = arith.constant 184 : index
    %get3A_11 = tpu.vector_load %arg5[%get3A] {strides = array<i32>} : memref<6400xi32, #tpu.memory_space<vmem>>, vector<16xi32>,
    %mul3A_12 = arith.constant 192 : i32
    %mul3A_13 = vector.broadcast %mul3A_12 : i32 to vector<16xi32>
    %mul3A_14 = arith.muli %get3A_11, %mul3A_13 : vector<16xi32>
    %add3A_15 = arith.constant 184 : i32
    %add3A_16 = vector.broadcast %add3A_15 : i32 to vector<16xi32>
    %add3A_17 = arith.addi %iota3A, %add3A_16 : vector<16xi32>
    %jit3A = arith.constant 50 : i32
    %div3A = vector.broadcast %jit3A : i32 to vector<16xi32>
    %div3A_18 = arith.divsi %add3A_17, %div3A : vector<16xi32>
    %sign3A = arith.constant 0 : i32
    %sign3A_19 = vector.broadcast %sign3A : i32 to vector<16xi32>
    %sign3A_20 = arith.cmpi sgt, %add3A_17, %sign3A_19 : vector<16xi32>
    %sign3A_21 = arith.extui %sign3A_20 : vector<16xi1> to vector<16xi32>
    %sign3A_22 = arith.constant 0 : i32
    %sign3A_23 = vector.broadcast %sign3A_22 : i32 to vector<16xi32>
    %sign3A_24 = arith.cmpi slt, %add3A_17, %sign3A_23 : vector<16xi32>
    %sign3A_25 = arith.extui %sign3A_24 : vector<16xi1> to vector<16xi32>
    %sign3A_26 = arith.subi %sign3A_21, %sign3A_25 : vector<16xi32>
    %sign3A_27 = arith.constant 0 : i32
    %sign3A_28 = arith.cmpi sgt, %jit3A, %sign3A_27 : i32
    %sign3A_29 = arith.extui %sign3A_28 : i1 to i32
    %sign3A_30 = arith.constant 0 : i32
    %sign3A_31 = arith.cmpi slt, %jit3A, %sign3A_30 : i32
    %sign3A_32 = arith.extui %sign3A_31 : i1 to i32
    %sign3A_33 = arith.subi %sign3A_29, %sign3A_32 : i32
    %ne3A = vector.broadcast %sign3A_33 : i32 to vector<16xi32>
    %ne3A_34 = arith.cmpi ne, %sign3A_26, %ne3A : vector<16xi32>
    %rem3A = vector.broadcast %jit3A : i32 to vector<16xi32>
    %rem3A_35 = arith.remsi %add3A_17, %rem3A : vector<16xi32>
    %ne3A_36 = arith.constant 0 : i32
    %ne3A_37 = vector.broadcast %ne3A_36 : i32 to vector<16xi32>
    %ne3A_38 = arith.cmpi ne, %rem3A_35, %ne3A_37 : vector<16xi32>
    %and3A = arith.andi %ne3A_34, %ne3A_38 : vector<16xi1>
    %sub3A = arith.constant 1 : i32
    %sub3A_39 = vector.broadcast %sub3A : i32 to vector<16xi32>
    %sub3A_40 = arith.subi %div3A_18, %sub3A_39 : vector<16xi32>
    %select_n3A = arith.select %and3A, %sub3A_40, %div3A_18 : vector<16xi1>, vector<16xi32>
    %mul3A_41 = arith.constant 50 : i32
    %mul3A_42 = vector.broadcast %mul3A_41 : i32 to vector<16xi32>
    %mul3A_43 = arith.muli %select_n3A, %mul3A_42 : vector<16xi32>
    %sub3A_44 = arith.subi %add3A_17, %mul3A_43 : vector<16xi32>
    %parallel_loop3A = arith.constant 0 : i32
    %parallel_loop3A_45 = arith.constant 192 : i32
    %parallel_loop3A_46 = arith.constant 1 : i32
    scf.for %parallel_loop3A_137 = %parallel_loop3A to %parallel_loop3A_45 step %parallel_loop3A_46  : i32 {
      %parallel_loop3A_138 = vector.broadcast %parallel_loop3A_137 : i32 to vector<16xi32>
      %parallel_loop3A_139 = arith.xori %iota3A, %parallel_loop3A_138 : vector<16xi32>
      %parallel_loop3A_140 = arith.addi %mul3A_14, %parallel_loop3A_139 : vector<16xi32>
      %parallel_loop3A_141 = tpu.vector_load_idx %arg6[%parallel_loop3A_140] : memref<4608xf32, #tpu.memory_space<vmem>>[vector<16xi32>], vector<16xf32>,
      tpu.vector_store_idx %arg7[%select_n3A, %sub3A_44, %parallel_loop3A_139], %parallel_loop3A_141 : memref<4x50x192xf32, #tpu.memory_space<vmem>>[vector<16xi32>, vector<16xi32>, vector<16xi32>], vector<16xf32>,
    } {sc.loop_unroll_factor = 16 : i64, sc.parallel_access}
    %add3A_47 = arith.constant 0 : i32
    %add3A_48 = arith.addi %mul3A_2, %add3A_47 : i32
    %dma_start3A = arith.constant 0 : i32
    %dma_start3A_49 = arith.constant 0 : i32
    %dma_start3A_50 = tpu.memref_slice %arg4[%add3A_48, %dma_start3A, %dma_start3A_49] : memref<4096x50x192xf32, #tpu.memory_space<hbm>> -> memref<4x50x192xf32, #tpu.memory_space<hbm>>
    %dma_start3A_51 = arith.constant 0 : i32
    %dma_start3A_52 = arith.constant 0 : i32
    %dma_start3A_53 = tpu.memref_slice %arg4[%add3A_48, %dma_start3A_51, %dma_start3A_52] : memref<4096x50x192xf32, #tpu.memory_space<hbm>> -> memref<4x50x192xf32, #tpu.memory_space<hbm>>
    tpu.enqueue_dma source(%arg7 : memref<4x50x192xf32, #tpu.memory_space<vmem>>) target(%dma_start3A_53 : memref<4x50x192xf32, #tpu.memory_space<hbm>>) target_semaphore(%arg9 : memref<!tpu.dma_semaphore, #tpu.memory_space<semaphore_mem>>)
    %scan3A_54 = arith.constant 0 : i32
    %scan3A_55 = arith.constant 0 : i32
    %scan3A_56 = arith.constant 12 : i32
    %scan3A_57 = arith.addi %scan3A_55, %scan3A_56 : i32
    %scan3A_58 = arith.constant 1 : i32
    %scan3A_59 = scf.for %scan3A_137 = %scan3A_55 to %scan3A_57 step %scan3A_58 iter_args(%scan3A_138 = %scan3A_54) -> (i32)  : i32 {
      %mul3A_139 = arith.constant 16 : i32
      %mul3A_140 = arith.muli %scan3A_137, %mul3A_139 : i32
      %add3A_141 = arith.constant 200 : i32
      %add3A_142 = arith.addi %add3A_141, %mul3A_140 : i32
      %get3A_143 = arith.index_cast %add3A_142 : i32 to index
      %get3A_144 = tpu.vector_load %arg5[%get3A_143] {strides = array<i32>} : memref<6400xi32, #tpu.memory_space<vmem>>, vector<16xi32>,
      %mul3A_145 = arith.constant 192 : i32
      %mul3A_146 = vector.broadcast %mul3A_145 : i32 to vector<16xi32>
      %mul3A_147 = arith.muli %get3A_144, %mul3A_146 : vector<16xi32>
      %add3A_148 = vector.broadcast %mul3A_140 : i32 to vector<16xi32>
      %add3A_149 = arith.addi %iota3A, %add3A_148 : vector<16xi32>
      %jit3A_150 = arith.constant 50 : i32
      %div3A_151 = vector.broadcast %jit3A_150 : i32 to vector<16xi32>
      %div3A_152 = arith.divsi %add3A_149, %div3A_151 : vector<16xi32>
      %sign3A_153 = arith.constant 0 : i32
      %sign3A_154 = vector.broadcast %sign3A_153 : i32 to vector<16xi32>
      %sign3A_155 = arith.cmpi sgt, %add3A_149, %sign3A_154 : vector<16xi32>
      %sign3A_156 = arith.extui %sign3A_155 : vector<16xi1> to vector<16xi32>
      %sign3A_157 = arith.constant 0 : i32
      %sign3A_158 = vector.broadcast %sign3A_157 : i32 to vector<16xi32>
      %sign3A_159 = arith.cmpi slt, %add3A_149, %sign3A_158 : vector<16xi32>
      %sign3A_160 = arith.extui %sign3A_159 : vector<16xi1> to vector<16xi32>
      %sign3A_161 = arith.subi %sign3A_156, %sign3A_160 : vector<16xi32>
      %sign3A_162 = arith.constant 0 : i32
      %sign3A_163 = arith.cmpi sgt, %jit3A_150, %sign3A_162 : i32
      %sign3A_164 = arith.extui %sign3A_163 : i1 to i32
      %sign3A_165 = arith.constant 0 : i32
      %sign3A_166 = arith.cmpi slt, %jit3A_150, %sign3A_165 : i32
      %sign3A_167 = arith.extui %sign3A_166 : i1 to i32
      %sign3A_168 = arith.subi %sign3A_164, %sign3A_167 : i32
      %ne3A_169 = vector.broadcast %sign3A_168 : i32 to vector<16xi32>
      %ne3A_170 = arith.cmpi ne, %sign3A_161, %ne3A_169 : vector<16xi32>
      %rem3A_171 = vector.broadcast %jit3A_150 : i32 to vector<16xi32>
      %rem3A_172 = arith.remsi %add3A_149, %rem3A_171 : vector<16xi32>
      %ne3A_173 = arith.constant 0 : i32
      %ne3A_174 = vector.broadcast %ne3A_173 : i32 to vector<16xi32>
      %ne3A_175 = arith.cmpi ne, %rem3A_172, %ne3A_174 : vector<16xi32>
      %and3A_176 = arith.andi %ne3A_170, %ne3A_175 : vector<16xi1>
      %sub3A_177 = arith.constant 1 : i32
      %sub3A_178 = vector.broadcast %sub3A_177 : i32 to vector<16xi32>
      %sub3A_179 = arith.subi %div3A_152, %sub3A_178 : vector<16xi32>
      %select_n3A_180 = arith.select %and3A_176, %sub3A_179, %div3A_152 : vector<16xi1>, vector<16xi32>
      %mul3A_181 = arith.constant 50 : i32
      %mul3A_182 = vector.broadcast %mul3A_181 : i32 to vector<16xi32>
      %mul3A_183 = arith.muli %select_n3A_180, %mul3A_182 : vector<16xi32>
      %sub3A_184 = arith.subi %add3A_149, %mul3A_183 : vector<16xi32>
      %parallel_loop3A_185 = arith.constant 0 : i32
      %parallel_loop3A_186 = arith.constant 192 : i32
      %parallel_loop3A_187 = arith.constant 1 : i32
      scf.for %parallel_loop3A_189 = %parallel_loop3A_185 to %parallel_loop3A_186 step %parallel_loop3A_187  : i32 {
        %parallel_loop3A_190 = vector.broadcast %parallel_loop3A_189 : i32 to vector<16xi32>
        %parallel_loop3A_191 = arith.xori %iota3A, %parallel_loop3A_190 : vector<16xi32>
        %parallel_loop3A_192 = arith.addi %mul3A_147, %parallel_loop3A_191 : vector<16xi32>
        %parallel_loop3A_193 = tpu.vector_load_idx %arg6[%parallel_loop3A_192] : memref<4608xf32, #tpu.memory_space<vmem>>[vector<16xi32>], vector<16xf32>,
        tpu.vector_store_idx %arg8[%select_n3A_180, %sub3A_184, %parallel_loop3A_191], %parallel_loop3A_193 : memref<4x50x192xf32, #tpu.memory_space<vmem>>[vector<16xi32>, vector<16xi32>, vector<16xi32>], vector<16xf32>,
      } {sc.loop_unroll_factor = 16 : i64, sc.parallel_access}
      %scan3A_188 = arith.constant 0 : i32
      scf.yield %scan3A_188 : i32
    }
    %scan3A_60 = arith.constant 12 : i32
    %get3A_61 = arith.constant 384 : index
    %get3A_62 = tpu.vector_load %arg5[%get3A_61] {strides = array<i32>} : memref<6400xi32, #tpu.memory_space<vmem>>, vector<16xi32>,
    %mul3A_63 = arith.constant 192 : i32
    %mul3A_64 = vector.broadcast %mul3A_63 : i32 to vector<16xi32>
    %mul3A_65 = arith.muli %get3A_62, %mul3A_64 : vector<16xi32>
    %add3A_66 = arith.constant 184 : i32
    %add3A_67 = vector.broadcast %add3A_66 : i32 to vector<16xi32>
    %add3A_68 = arith.addi %iota3A, %add3A_67 : vector<16xi32>
    %jit3A_69 = arith.constant 50 : i32
    %div3A_70 = vector.broadcast %jit3A_69 : i32 to vector<16xi32>
    %div3A_71 = arith.divsi %add3A_68, %div3A_70 : vector<16xi32>
    %sign3A_72 = arith.constant 0 : i32
    %sign3A_73 = vector.broadcast %sign3A_72 : i32 to vector<16xi32>
    %sign3A_74 = arith.cmpi sgt, %add3A_68, %sign3A_73 : vector<16xi32>
    %sign3A_75 = arith.extui %sign3A_74 : vector<16xi1> to vector<16xi32>
    %sign3A_76 = arith.constant 0 : i32
    %sign3A_77 = vector.broadcast %sign3A_76 : i32 to vector<16xi32>
    %sign3A_78 = arith.cmpi slt, %add3A_68, %sign3A_77 : vector<16xi32>
    %sign3A_79 = arith.extui %sign3A_78 : vector<16xi1> to vector<16xi32>
    %sign3A_80 = arith.subi %sign3A_75, %sign3A_79 : vector<16xi32>
    %sign3A_81 = arith.constant 0 : i32
    %sign3A_82 = arith.cmpi sgt, %jit3A_69, %sign3A_81 : i32
    %sign3A_83 = arith.extui %sign3A_82 : i1 to i32
    %sign3A_84 = arith.constant 0 : i32
    %sign3A_85 = arith.cmpi slt, %jit3A_69, %sign3A_84 : i32
    %sign3A_86 = arith.extui %sign3A_85 : i1 to i32
    %sign3A_87 = arith.subi %sign3A_83, %sign3A_86 : i32
    %ne3A_88 = vector.broadcast %sign3A_87 : i32 to vector<16xi32>
    %ne3A_89 = arith.cmpi ne, %sign3A_80, %ne3A_88 : vector<16xi32>
    %rem3A_90 = vector.broadcast %jit3A_69 : i32 to vector<16xi32>
    %rem3A_91 = arith.remsi %add3A_68, %rem3A_90 : vector<16xi32>
    %ne3A_92 = arith.constant 0 : i32
    %ne3A_93 = vector.broadcast %ne3A_92 : i32 to vector<16xi32>
    %ne3A_94 = arith.cmpi ne, %rem3A_91, %ne3A_93 : vector<16xi32>
    %and3A_95 = arith.andi %ne3A_89, %ne3A_94 : vector<16xi1>
    %sub3A_96 = arith.constant 1 : i32
    %sub3A_97 = vector.broadcast %sub3A_96 : i32 to vector<16xi32>
    %sub3A_98 = arith.subi %div3A_71, %sub3A_97 : vector<16xi32>
    %select_n3A_99 = arith.select %and3A_95, %sub3A_98, %div3A_71 : vector<16xi1>, vector<16xi32>
    %mul3A_100 = arith.constant 50 : i32
    %mul3A_101 = vector.broadcast %mul3A_100 : i32 to vector<16xi32>
    %mul3A_102 = arith.muli %select_n3A_99, %mul3A_101 : vector<16xi32>
    %sub3A_103 = arith.subi %add3A_68, %mul3A_102 : vector<16xi32>
    %parallel_loop3A_104 = arith.constant 0 : i32
    %parallel_loop3A_105 = arith.constant 192 : i32
    %parallel_loop3A_106 = arith.constant 1 : i32
    scf.for %parallel_loop3A_137 = %parallel_loop3A_104 to %parallel_loop3A_105 step %parallel_loop3A_106  : i32 {
      %parallel_loop3A_138 = vector.broadcast %parallel_loop3A_137 : i32 to vector<16xi32>
      %parallel_loop3A_139 = arith.xori %iota3A, %parallel_loop3A_138 : vector<16xi32>
      %parallel_loop3A_140 = arith.addi %mul3A_65, %parallel_loop3A_139 : vector<16xi32>
      %parallel_loop3A_141 = tpu.vector_load_idx %arg6[%parallel_loop3A_140] : memref<4608xf32, #tpu.memory_space<vmem>>[vector<16xi32>], vector<16xf32>,
      tpu.vector_store_idx %arg8[%select_n3A_99, %sub3A_103, %parallel_loop3A_139], %parallel_loop3A_141 : memref<4x50x192xf32, #tpu.memory_space<vmem>>[vector<16xi32>, vector<16xi32>, vector<16xi32>], vector<16xf32>,
    } {sc.loop_unroll_factor = 16 : i64, sc.parallel_access}
    %add3A_107 = arith.constant 4 : i32
    %add3A_108 = arith.addi %mul3A_2, %add3A_107 : i32
    %dma_start3A_109 = arith.constant 0 : i32
    %dma_start3A_110 = arith.constant 0 : i32
    %dma_start3A_111 = tpu.memref_slice %arg4[%add3A_108, %dma_start3A_109, %dma_start3A_110] : memref<4096x50x192xf32, #tpu.memory_space<hbm>> -> memref<4x50x192xf32, #tpu.memory_space<hbm>>
    %dma_start3A_112 = arith.constant 0 : i32
    %dma_start3A_113 = arith.constant 0 : i32
    %dma_start3A_114 = tpu.memref_slice %arg4[%add3A_108, %dma_start3A_112, %dma_start3A_113] : memref<4096x50x192xf32, #tpu.memory_space<hbm>> -> memref<4x50x192xf32, #tpu.memory_space<hbm>>
    tpu.enqueue_dma source(%arg8 : memref<4x50x192xf32, #tpu.memory_space<vmem>>) target(%dma_start3A_114 : memref<4x50x192xf32, #tpu.memory_space<hbm>>) target_semaphore(%arg10 : memref<!tpu.dma_semaphore, #tpu.memory_space<semaphore_mem>>)
    %scan3A_115 = arith.constant 0 : i32
    %scan3A_116 = arith.constant 1 : i32
    %scan3A_117 = arith.constant 15 : i32
    %scan3A_118 = arith.addi %scan3A_116, %scan3A_117 : i32
    %scan3A_119 = arith.constant 1 : i32
    %scan3A_120 = scf.for %scan3A_137 = %scan3A_116 to %scan3A_118 step %scan3A_119 iter_args(%scan3A_138 = %scan3A_115) -> (i32)  : i32 {
      %mul3A_139 = arith.constant 2 : i32
      %mul3A_140 = arith.muli %mul3A_139, %scan3A_137 : i32
      %add3A_141 = arith.constant 0 : i32
      %add3A_142 = arith.addi %mul3A_140, %add3A_141 : i32
      %dma_wait3A_143 = arith.constant 0 : i32
      %dma_wait3A_144 = arith.constant 0 : i32
      %dma_wait3A_145 = arith.constant 0 : i32
      %dma_wait3A_146 = tpu.memref_slice %arg4[%dma_wait3A_143, %dma_wait3A_144, %dma_wait3A_145] : memref<4096x50x192xf32, #tpu.memory_space<hbm>> -> memref<4x50x192xf32, #tpu.memory_space<hbm>>
      %dma_wait3A_147 = arith.constant 0 : i32
      %dma_wait3A_148 = arith.constant 0 : i32
      %dma_wait3A_149 = arith.constant 0 : i32
      %dma_wait3A_150 = tpu.memref_slice %arg4[%dma_wait3A_147, %dma_wait3A_148, %dma_wait3A_149] : memref<4096x50x192xf32, #tpu.memory_space<hbm>> -> memref<4x50x192xf32, #tpu.memory_space<hbm>>
      tpu.wait_dma2 semaphore(%arg9 : memref<!tpu.dma_semaphore, #tpu.memory_space<semaphore_mem>>) src(%arg7 : memref<4x50x192xf32, #tpu.memory_space<vmem>>) dst(%dma_wait3A_150 : memref<4x50x192xf32, #tpu.memory_space<hbm>>)
      %mul3A_151 = arith.constant 200 : i32
      %mul3A_152 = arith.muli %add3A_142, %mul3A_151 : i32
      %scan3A_153 = arith.constant 0 : i32
      %scan3A_154 = arith.constant 0 : i32
      %scan3A_155 = arith.constant 12 : i32
      %scan3A_156 = arith.addi %scan3A_154, %scan3A_155 : i32
      %scan3A_157 = arith.constant 1 : i32
      %scan3A_158 = scf.for %scan3A_296 = %scan3A_154 to %scan3A_156 step %scan3A_157 iter_args(%scan3A_297 = %scan3A_153) -> (i32)  : i32 {
        %mul3A_298 = arith.constant 16 : i32
        %mul3A_299 = arith.muli %scan3A_296, %mul3A_298 : i32
        %add3A_300 = arith.addi %mul3A_152, %mul3A_299 : i32
        %get3A_301 = arith.index_cast %add3A_300 : i32 to index
        %get3A_302 = tpu.vector_load %arg5[%get3A_301] {strides = array<i32>} : memref<6400xi32, #tpu.memory_space<vmem>>, vector<16xi32>,
        %mul3A_303 = arith.constant 192 : i32
        %mul3A_304 = vector.broadcast %mul3A_303 : i32 to vector<16xi32>
        %mul3A_305 = arith.muli %get3A_302, %mul3A_304 : vector<16xi32>
        %add3A_306 = vector.broadcast %mul3A_299 : i32 to vector<16xi32>
        %add3A_307 = arith.addi %iota3A, %add3A_306 : vector<16xi32>
        %jit3A_308 = arith.constant 50 : i32
        %div3A_309 = vector.broadcast %jit3A_308 : i32 to vector<16xi32>
        %div3A_310 = arith.divsi %add3A_307, %div3A_309 : vector<16xi32>
        %sign3A_311 = arith.constant 0 : i32
        %sign3A_312 = vector.broadcast %sign3A_311 : i32 to vector<16xi32>
        %sign3A_313 = arith.cmpi sgt, %add3A_307, %sign3A_312 : vector<16xi32>
        %sign3A_314 = arith.extui %sign3A_313 : vector<16xi1> to vector<16xi32>
        %sign3A_315 = arith.constant 0 : i32
        %sign3A_316 = vector.broadcast %sign3A_315 : i32 to vector<16xi32>
        %sign3A_317 = arith.cmpi slt, %add3A_307, %sign3A_316 : vector<16xi32>
        %sign3A_318 = arith.extui %sign3A_317 : vector<16xi1> to vector<16xi32>
        %sign3A_319 = arith.subi %sign3A_314, %sign3A_318 : vector<16xi32>
        %sign3A_320 = arith.constant 0 : i32
        %sign3A_321 = arith.cmpi sgt, %jit3A_308, %sign3A_320 : i32
        %sign3A_322 = arith.extui %sign3A_321 : i1 to i32
        %sign3A_323 = arith.constant 0 : i32
        %sign3A_324 = arith.cmpi slt, %jit3A_308, %sign3A_323 : i32
        %sign3A_325 = arith.extui %sign3A_324 : i1 to i32
        %sign3A_326 = arith.subi %sign3A_322, %sign3A_325 : i32
        %ne3A_327 = vector.broadcast %sign3A_326 : i32 to vector<16xi32>
        %ne3A_328 = arith.cmpi ne, %sign3A_319, %ne3A_327 : vector<16xi32>
        %rem3A_329 = vector.broadcast %jit3A_308 : i32 to vector<16xi32>
        %rem3A_330 = arith.remsi %add3A_307, %rem3A_329 : vector<16xi32>
        %ne3A_331 = arith.constant 0 : i32
        %ne3A_332 = vector.broadcast %ne3A_331 : i32 to vector<16xi32>
        %ne3A_333 = arith.cmpi ne, %rem3A_330, %ne3A_332 : vector<16xi32>
        %and3A_334 = arith.andi %ne3A_328, %ne3A_333 : vector<16xi1>
        %sub3A_335 = arith.constant 1 : i32
        %sub3A_336 = vector.broadcast %sub3A_335 : i32 to vector<16xi32>
        %sub3A_337 = arith.subi %div3A_310, %sub3A_336 : vector<16xi32>
        %select_n3A_338 = arith.select %and3A_334, %sub3A_337, %div3A_310 : vector<16xi1>, vector<16xi32>
        %mul3A_339 = arith.constant 50 : i32
        %mul3A_340 = vector.broadcast %mul3A_339 : i32 to vector<16xi32>
        %mul3A_341 = arith.muli %select_n3A_338, %mul3A_340 : vector<16xi32>
        %sub3A_342 = arith.subi %add3A_307, %mul3A_341 : vector<16xi32>
        %parallel_loop3A_343 = arith.constant 0 : i32
        %parallel_loop3A_344 = arith.constant 192 : i32
        %parallel_loop3A_345 = arith.constant 1 : i32
        scf.for %parallel_loop3A_347 = %parallel_loop3A_343 to %parallel_loop3A_344 step %parallel_loop3A_345  : i32 {
          %parallel_loop3A_348 = vector.broadcast %parallel_loop3A_347 : i32 to vector<16xi32>
          %parallel_loop3A_349 = arith.xori %iota3A, %parallel_loop3A_348 : vector<16xi32>
          %parallel_loop3A_350 = arith.addi %mul3A_305, %parallel_loop3A_349 : vector<16xi32>
          %parallel_loop3A_351 = tpu.vector_load_idx %arg6[%parallel_loop3A_350] : memref<4608xf32, #tpu.memory_space<vmem>>[vector<16xi32>], vector<16xf32>,
          tpu.vector_store_idx %arg7[%select_n3A_338, %sub3A_342, %parallel_loop3A_349], %parallel_loop3A_351 : memref<4x50x192xf32, #tpu.memory_space<vmem>>[vector<16xi32>, vector<16xi32>, vector<16xi32>], vector<16xf32>,
        } {sc.loop_unroll_factor = 16 : i64, sc.parallel_access}
        %scan3A_346 = arith.constant 0 : i32
        scf.yield %scan3A_346 : i32
      }
      %scan3A_159 = arith.constant 12 : i32
      %add3A_160 = arith.constant 184 : i32
      %add3A_161 = arith.addi %mul3A_152, %add3A_160 : i32
      %get3A_162 = arith.index_cast %add3A_161 : i32 to index
      %get3A_163 = tpu.vector_load %arg5[%get3A_162] {strides = array<i32>} : memref<6400xi32, #tpu.memory_space<vmem>>, vector<16xi32>,
      %mul3A_164 = arith.constant 192 : i32
      %mul3A_165 = vector.broadcast %mul3A_164 : i32 to vector<16xi32>
      %mul3A_166 = arith.muli %get3A_163, %mul3A_165 : vector<16xi32>
      %add3A_167 = arith.constant 184 : i32
      %add3A_168 = vector.broadcast %add3A_167 : i32 to vector<16xi32>
      %add3A_169 = arith.addi %iota3A, %add3A_168 : vector<16xi32>
      %jit3A_170 = arith.constant 50 : i32
      %div3A_171 = vector.broadcast %jit3A_170 : i32 to vector<16xi32>
      %div3A_172 = arith.divsi %add3A_169, %div3A_171 : vector<16xi32>
      %sign3A_173 = arith.constant 0 : i32
      %sign3A_174 = vector.broadcast %sign3A_173 : i32 to vector<16xi32>
      %sign3A_175 = arith.cmpi sgt, %add3A_169, %sign3A_174 : vector<16xi32>
      %sign3A_176 = arith.extui %sign3A_175 : vector<16xi1> to vector<16xi32>
      %sign3A_177 = arith.constant 0 : i32
      %sign3A_178 = vector.broadcast %sign3A_177 : i32 to vector<16xi32>
      %sign3A_179 = arith.cmpi slt, %add3A_169, %sign3A_178 : vector<16xi32>
      %sign3A_180 = arith.extui %sign3A_179 : vector<16xi1> to vector<16xi32>
      %sign3A_181 = arith.subi %sign3A_176, %sign3A_180 : vector<16xi32>
      %sign3A_182 = arith.constant 0 : i32
      %sign3A_183 = arith.cmpi sgt, %jit3A_170, %sign3A_182 : i32
      %sign3A_184 = arith.extui %sign3A_183 : i1 to i32
      %sign3A_185 = arith.constant 0 : i32
      %sign3A_186 = arith.cmpi slt, %jit3A_170, %sign3A_185 : i32
      %sign3A_187 = arith.extui %sign3A_186 : i1 to i32
      %sign3A_188 = arith.subi %sign3A_184, %sign3A_187 : i32
      %ne3A_189 = vector.broadcast %sign3A_188 : i32 to vector<16xi32>
      %ne3A_190 = arith.cmpi ne, %sign3A_181, %ne3A_189 : vector<16xi32>
      %rem3A_191 = vector.broadcast %jit3A_170 : i32 to vector<16xi32>
      %rem3A_192 = arith.remsi %add3A_169, %rem3A_191 : vector<16xi32>
      %ne3A_193 = arith.constant 0 : i32
      %ne3A_194 = vector.broadcast %ne3A_193 : i32 to vector<16xi32>
      %ne3A_195 = arith.cmpi ne, %rem3A_192, %ne3A_194 : vector<16xi32>
      %and3A_196 = arith.andi %ne3A_190, %ne3A_195 : vector<16xi1>
      %sub3A_197 = arith.constant 1 : i32
      %sub3A_198 = vector.broadcast %sub3A_197 : i32 to vector<16xi32>
      %sub3A_199 = arith.subi %div3A_172, %sub3A_198 : vector<16xi32>
      %select_n3A_200 = arith.select %and3A_196, %sub3A_199, %div3A_172 : vector<16xi1>, vector<16xi32>
      %mul3A_201 = arith.constant 50 : i32
      %mul3A_202 = vector.broadcast %mul3A_201 : i32 to vector<16xi32>
      %mul3A_203 = arith.muli %select_n3A_200, %mul3A_202 : vector<16xi32>
      %sub3A_204 = arith.subi %add3A_169, %mul3A_203 : vector<16xi32>
      %parallel_loop3A_205 = arith.constant 0 : i32
      %parallel_loop3A_206 = arith.constant 192 : i32
      %parallel_loop3A_207 = arith.constant 1 : i32
      scf.for %parallel_loop3A_296 = %parallel_loop3A_205 to %parallel_loop3A_206 step %parallel_loop3A_207  : i32 {
        %parallel_loop3A_297 = vector.broadcast %parallel_loop3A_296 : i32 to vector<16xi32>
        %parallel_loop3A_298 = arith.xori %iota3A, %parallel_loop3A_297 : vector<16xi32>
        %parallel_loop3A_299 = arith.addi %mul3A_166, %parallel_loop3A_298 : vector<16xi32>
        %parallel_loop3A_300 = tpu.vector_load_idx %arg6[%parallel_loop3A_299] : memref<4608xf32, #tpu.memory_space<vmem>>[vector<16xi32>], vector<16xf32>,
        tpu.vector_store_idx %arg7[%select_n3A_200, %sub3A_204, %parallel_loop3A_298], %parallel_loop3A_300 : memref<4x50x192xf32, #tpu.memory_space<vmem>>[vector<16xi32>, vector<16xi32>, vector<16xi32>], vector<16xf32>,
      } {sc.loop_unroll_factor = 16 : i64, sc.parallel_access}
      %mul3A_208 = arith.constant 4 : i32
      %mul3A_209 = arith.muli %add3A_142, %mul3A_208 : i32
      %add3A_210 = arith.addi %mul3A_2, %mul3A_209 : i32
      %dma_start3A_211 = arith.constant 0 : i32
      %dma_start3A_212 = arith.constant 0 : i32
      %dma_start3A_213 = tpu.memref_slice %arg4[%add3A_210, %dma_start3A_211, %dma_start3A_212] : memref<4096x50x192xf32, #tpu.memory_space<hbm>> -> memref<4x50x192xf32, #tpu.memory_space<hbm>>
      %dma_start3A_214 = arith.constant 0 : i32
      %dma_start3A_215 = arith.constant 0 : i32
      %dma_start3A_216 = tpu.memref_slice %arg4[%add3A_210, %dma_start3A_214, %dma_start3A_215] : memref<4096x50x192xf32, #tpu.memory_space<hbm>> -> memref<4x50x192xf32, #tpu.memory_space<hbm>>
      tpu.enqueue_dma source(%arg7 : memref<4x50x192xf32, #tpu.memory_space<vmem>>) target(%dma_start3A_216 : memref<4x50x192xf32, #tpu.memory_space<hbm>>) target_semaphore(%arg9 : memref<!tpu.dma_semaphore, #tpu.memory_space<semaphore_mem>>)
      %mul3A_217 = arith.constant 2 : i32
      %mul3A_218 = arith.muli %mul3A_217, %scan3A_137 : i32
      %add3A_219 = arith.constant 1 : i32
      %add3A_220 = arith.addi %mul3A_218, %add3A_219 : i32
      %dma_wait3A_221 = arith.constant 0 : i32
      %dma_wait3A_222 = arith.constant 0 : i32
      %dma_wait3A_223 = arith.constant 0 : i32
      %dma_wait3A_224 = tpu.memref_slice %arg4[%dma_wait3A_221, %dma_wait3A_222, %dma_wait3A_223] : memref<4096x50x192xf32, #tpu.memory_space<hbm>> -> memref<4x50x192xf32, #tpu.memory_space<hbm>>
      %dma_wait3A_225 = arith.constant 0 : i32
      %dma_wait3A_226 = arith.constant 0 : i32
      %dma_wait3A_227 = arith.constant 0 : i32
      %dma_wait3A_228 = tpu.memref_slice %arg4[%dma_wait3A_225, %dma_wait3A_226, %dma_wait3A_227] : memref<4096x50x192xf32, #tpu.memory_space<hbm>> -> memref<4x50x192xf32, #tpu.memory_space<hbm>>
      tpu.wait_dma2 semaphore(%arg10 : memref<!tpu.dma_semaphore, #tpu.memory_space<semaphore_mem>>) src(%arg8 : memref<4x50x192xf32, #tpu.memory_space<vmem>>) dst(%dma_wait3A_228 : memref<4x50x192xf32, #tpu.memory_space<hbm>>)
      %mul3A_229 = arith.constant 200 : i32
      %mul3A_230 = arith.muli %add3A_220, %mul3A_229 : i32
      %scan3A_231 = arith.constant 0 : i32
      %scan3A_232 = arith.constant 0 : i32
      %scan3A_233 = arith.constant 12 : i32
      %scan3A_234 = arith.addi %scan3A_232, %scan3A_233 : i32
      %scan3A_235 = arith.constant 1 : i32
      %scan3A_236 = scf.for %scan3A_296 = %scan3A_232 to %scan3A_234 step %scan3A_235 iter_args(%scan3A_297 = %scan3A_231) -> (i32)  : i32 {
        %mul3A_298 = arith.constant 16 : i32
        %mul3A_299 = arith.muli %scan3A_296, %mul3A_298 : i32
        %add3A_300 = arith.addi %mul3A_230, %mul3A_299 : i32
        %get3A_301 = arith.index_cast %add3A_300 : i32 to index
        %get3A_302 = tpu.vector_load %arg5[%get3A_301] {strides = array<i32>} : memref<6400xi32, #tpu.memory_space<vmem>>, vector<16xi32>,
        %mul3A_303 = arith.constant 192 : i32
        %mul3A_304 = vector.broadcast %mul3A_303 : i32 to vector<16xi32>
        %mul3A_305 = arith.muli %get3A_302, %mul3A_304 : vector<16xi32>
        %add3A_306 = vector.broadcast %mul3A_299 : i32 to vector<16xi32>
        %add3A_307 = arith.addi %iota3A, %add3A_306 : vector<16xi32>
        %jit3A_308 = arith.constant 50 : i32
        %div3A_309 = vector.broadcast %jit3A_308 : i32 to vector<16xi32>
        %div3A_310 = arith.divsi %add3A_307, %div3A_309 : vector<16xi32>
        %sign3A_311 = arith.constant 0 : i32
        %sign3A_312 = vector.broadcast %sign3A_311 : i32 to vector<16xi32>
        %sign3A_313 = arith.cmpi sgt, %add3A_307, %sign3A_312 : vector<16xi32>
        %sign3A_314 = arith.extui %sign3A_313 : vector<16xi1> to vector<16xi32>
        %sign3A_315 = arith.constant 0 : i32
        %sign3A_316 = vector.broadcast %sign3A_315 : i32 to vector<16xi32>
        %sign3A_317 = arith.cmpi slt, %add3A_307, %sign3A_316 : vector<16xi32>
        %sign3A_318 = arith.extui %sign3A_317 : vector<16xi1> to vector<16xi32>
        %sign3A_319 = arith.subi %sign3A_314, %sign3A_318 : vector<16xi32>
        %sign3A_320 = arith.constant 0 : i32
        %sign3A_321 = arith.cmpi sgt, %jit3A_308, %sign3A_320 : i32
        %sign3A_322 = arith.extui %sign3A_321 : i1 to i32
        %sign3A_323 = arith.constant 0 : i32
        %sign3A_324 = arith.cmpi slt, %jit3A_308, %sign3A_323 : i32
        %sign3A_325 = arith.extui %sign3A_324 : i1 to i32
        %sign3A_326 = arith.subi %sign3A_322, %sign3A_325 : i32
        %ne3A_327 = vector.broadcast %sign3A_326 : i32 to vector<16xi32>
        %ne3A_328 = arith.cmpi ne, %sign3A_319, %ne3A_327 : vector<16xi32>
        %rem3A_329 = vector.broadcast %jit3A_308 : i32 to vector<16xi32>
        %rem3A_330 = arith.remsi %add3A_307, %rem3A_329 : vector<16xi32>
        %ne3A_331 = arith.constant 0 : i32
        %ne3A_332 = vector.broadcast %ne3A_331 : i32 to vector<16xi32>
        %ne3A_333 = arith.cmpi ne, %rem3A_330, %ne3A_332 : vector<16xi32>
        %and3A_334 = arith.andi %ne3A_328, %ne3A_333 : vector<16xi1>
        %sub3A_335 = arith.constant 1 : i32
        %sub3A_336 = vector.broadcast %sub3A_335 : i32 to vector<16xi32>
        %sub3A_337 = arith.subi %div3A_310, %sub3A_336 : vector<16xi32>
        %select_n3A_338 = arith.select %and3A_334, %sub3A_337, %div3A_310 : vector<16xi1>, vector<16xi32>
        %mul3A_339 = arith.constant 50 : i32
        %mul3A_340 = vector.broadcast %mul3A_339 : i32 to vector<16xi32>
        %mul3A_341 = arith.muli %select_n3A_338, %mul3A_340 : vector<16xi32>
        %sub3A_342 = arith.subi %add3A_307, %mul3A_341 : vector<16xi32>
        %parallel_loop3A_343 = arith.constant 0 : i32
        %parallel_loop3A_344 = arith.constant 192 : i32
        %parallel_loop3A_345 = arith.constant 1 : i32
        scf.for %parallel_loop3A_347 = %parallel_loop3A_343 to %parallel_loop3A_344 step %parallel_loop3A_345  : i32 {
          %parallel_loop3A_348 = vector.broadcast %parallel_loop3A_347 : i32 to vector<16xi32>
          %parallel_loop3A_349 = arith.xori %iota3A, %parallel_loop3A_348 : vector<16xi32>
          %parallel_loop3A_350 = arith.addi %mul3A_305, %parallel_loop3A_349 : vector<16xi32>
          %parallel_loop3A_351 = tpu.vector_load_idx %arg6[%parallel_loop3A_350] : memref<4608xf32, #tpu.memory_space<vmem>>[vector<16xi32>], vector<16xf32>,
          tpu.vector_store_idx %arg8[%select_n3A_338, %sub3A_342, %parallel_loop3A_349], %parallel_loop3A_351 : memref<4x50x192xf32, #tpu.memory_space<vmem>>[vector<16xi32>, vector<16xi32>, vector<16xi32>], vector<16xf32>,
        } {sc.loop_unroll_factor = 16 : i64, sc.parallel_access}
        %scan3A_346 = arith.constant 0 : i32
        scf.yield %scan3A_346 : i32
      }
      %scan3A_237 = arith.constant 12 : i32
      %add3A_238 = arith.constant 184 : i32
      %add3A_239 = arith.addi %mul3A_230, %add3A_238 : i32
      %get3A_240 = arith.index_cast %add3A_239 : i32 to index
      %get3A_241 = tpu.vector_load %arg5[%get3A_240] {strides = array<i32>} : memref<6400xi32, #tpu.memory_space<vmem>>, vector<16xi32>,
      %mul3A_242 = arith.constant 192 : i32
      %mul3A_243 = vector.broadcast %mul3A_242 : i32 to vector<16xi32>
      %mul3A_244 = arith.muli %get3A_241, %mul3A_243 : vector<16xi32>
      %add3A_245 = arith.constant 184 : i32
      %add3A_246 = vector.broadcast %add3A_245 : i32 to vector<16xi32>
      %add3A_247 = arith.addi %iota3A, %add3A_246 : vector<16xi32>
      %jit3A_248 = arith.constant 50 : i32
      %div3A_249 = vector.broadcast %jit3A_248 : i32 to vector<16xi32>
      %div3A_250 = arith.divsi %add3A_247, %div3A_249 : vector<16xi32>
      %sign3A_251 = arith.constant 0 : i32
      %sign3A_252 = vector.broadcast %sign3A_251 : i32 to vector<16xi32>
      %sign3A_253 = arith.cmpi sgt, %add3A_247, %sign3A_252 : vector<16xi32>
      %sign3A_254 = arith.extui %sign3A_253 : vector<16xi1> to vector<16xi32>
      %sign3A_255 = arith.constant 0 : i32
      %sign3A_256 = vector.broadcast %sign3A_255 : i32 to vector<16xi32>
      %sign3A_257 = arith.cmpi slt, %add3A_247, %sign3A_256 : vector<16xi32>
      %sign3A_258 = arith.extui %sign3A_257 : vector<16xi1> to vector<16xi32>
      %sign3A_259 = arith.subi %sign3A_254, %sign3A_258 : vector<16xi32>
      %sign3A_260 = arith.constant 0 : i32
      %sign3A_261 = arith.cmpi sgt, %jit3A_248, %sign3A_260 : i32
      %sign3A_262 = arith.extui %sign3A_261 : i1 to i32
      %sign3A_263 = arith.constant 0 : i32
      %sign3A_264 = arith.cmpi slt, %jit3A_248, %sign3A_263 : i32
      %sign3A_265 = arith.extui %sign3A_264 : i1 to i32
      %sign3A_266 = arith.subi %sign3A_262, %sign3A_265 : i32
      %ne3A_267 = vector.broadcast %sign3A_266 : i32 to vector<16xi32>
      %ne3A_268 = arith.cmpi ne, %sign3A_259, %ne3A_267 : vector<16xi32>
      %rem3A_269 = vector.broadcast %jit3A_248 : i32 to vector<16xi32>
      %rem3A_270 = arith.remsi %add3A_247, %rem3A_269 : vector<16xi32>
      %ne3A_271 = arith.constant 0 : i32
      %ne3A_272 = vector.broadcast %ne3A_271 : i32 to vector<16xi32>
      %ne3A_273 = arith.cmpi ne, %rem3A_270, %ne3A_272 : vector<16xi32>
      %and3A_274 = arith.andi %ne3A_268, %ne3A_273 : vector<16xi1>
      %sub3A_275 = arith.constant 1 : i32
      %sub3A_276 = vector.broadcast %sub3A_275 : i32 to vector<16xi32>
      %sub3A_277 = arith.subi %div3A_250, %sub3A_276 : vector<16xi32>
      %select_n3A_278 = arith.select %and3A_274, %sub3A_277, %div3A_250 : vector<16xi1>, vector<16xi32>
      %mul3A_279 = arith.constant 50 : i32
      %mul3A_280 = vector.broadcast %mul3A_279 : i32 to vector<16xi32>
      %mul3A_281 = arith.muli %select_n3A_278, %mul3A_280 : vector<16xi32>
      %sub3A_282 = arith.subi %add3A_247, %mul3A_281 : vector<16xi32>
      %parallel_loop3A_283 = arith.constant 0 : i32
      %parallel_loop3A_284 = arith.constant 192 : i32
      %parallel_loop3A_285 = arith.constant 1 : i32
      scf.for %parallel_loop3A_296 = %parallel_loop3A_283 to %parallel_loop3A_284 step %parallel_loop3A_285  : i32 {
        %parallel_loop3A_297 = vector.broadcast %parallel_loop3A_296 : i32 to vector<16xi32>
        %parallel_loop3A_298 = arith.xori %iota3A, %parallel_loop3A_297 : vector<16xi32>
        %parallel_loop3A_299 = arith.addi %mul3A_244, %parallel_loop3A_298 : vector<16xi32>
        %parallel_loop3A_300 = tpu.vector_load_idx %arg6[%parallel_loop3A_299] : memref<4608xf32, #tpu.memory_space<vmem>>[vector<16xi32>], vector<16xf32>,
        tpu.vector_store_idx %arg8[%select_n3A_278, %sub3A_282, %parallel_loop3A_298], %parallel_loop3A_300 : memref<4x50x192xf32, #tpu.memory_space<vmem>>[vector<16xi32>, vector<16xi32>, vector<16xi32>], vector<16xf32>,
      } {sc.loop_unroll_factor = 16 : i64, sc.parallel_access}
      %mul3A_286 = arith.constant 4 : i32
      %mul3A_287 = arith.muli %add3A_220, %mul3A_286 : i32
      %add3A_288 = arith.addi %mul3A_2, %mul3A_287 : i32
      %dma_start3A_289 = arith.constant 0 : i32
      %dma_start3A_290 = arith.constant 0 : i32
      %dma_start3A_291 = tpu.memref_slice %arg4[%add3A_288, %dma_start3A_289, %dma_start3A_290] : memref<4096x50x192xf32, #tpu.memory_space<hbm>> -> memref<4x50x192xf32, #tpu.memory_space<hbm>>
      %dma_start3A_292 = arith.constant 0 : i32
      %dma_start3A_293 = arith.constant 0 : i32
      %dma_start3A_294 = tpu.memref_slice %arg4[%add3A_288, %dma_start3A_292, %dma_start3A_293] : memref<4096x50x192xf32, #tpu.memory_space<hbm>> -> memref<4x50x192xf32, #tpu.memory_space<hbm>>
      tpu.enqueue_dma source(%arg8 : memref<4x50x192xf32, #tpu.memory_space<vmem>>) target(%dma_start3A_294 : memref<4x50x192xf32, #tpu.memory_space<hbm>>) target_semaphore(%arg10 : memref<!tpu.dma_semaphore, #tpu.memory_space<semaphore_mem>>)
      %scan3A_295 = arith.constant 0 : i32
      scf.yield %scan3A_295 : i32
    }
    %scan3A_121 = arith.constant 15 : i32
    %dma_wait3A = arith.constant 0 : i32
    %dma_wait3A_122 = arith.constant 0 : i32
    %dma_wait3A_123 = arith.constant 0 : i32
    %dma_wait3A_124 = tpu.memref_slice %arg4[%dma_wait3A, %dma_wait3A_122, %dma_wait3A_123] : memref<4096x50x192xf32, #tpu.memory_space<hbm>> -> memref<4x50x192xf32, #tpu.memory_space<hbm>>
    %dma_wait3A_125 = arith.constant 0 : i32
    %dma_wait3A_126 = arith.constant 0 : i32
    %dma_wait3A_127 = arith.constant 0 : i32
    %dma_wait3A_128 = tpu.memref_slice %arg4[%dma_wait3A_125, %dma_wait3A_126, %dma_wait3A_127] : memref<4096x50x192xf32, #tpu.memory_space<hbm>> -> memref<4x50x192xf32, #tpu.memory_space<hbm>>
    tpu.wait_dma2 semaphore(%arg9 : memref<!tpu.dma_semaphore, #tpu.memory_space<semaphore_mem>>) src(%arg7 : memref<4x50x192xf32, #tpu.memory_space<vmem>>) dst(%dma_wait3A_128 : memref<4x50x192xf32, #tpu.memory_space<hbm>>)
    %dma_wait3A_129 = arith.constant 0 : i32
    %dma_wait3A_130 = arith.constant 0 : i32
    %dma_wait3A_131 = arith.constant 0 : i32
    %dma_wait3A_132 = tpu.memref_slice %arg4[%dma_wait3A_129, %dma_wait3A_130, %dma_wait3A_131] : memref<4096x50x192xf32, #tpu.memory_space<hbm>> -> memref<4x50x192xf32, #tpu.memory_space<hbm>>
    %dma_wait3A_133 = arith.constant 0 : i32
    %dma_wait3A_134 = arith.constant 0 : i32
    %dma_wait3A_135 = arith.constant 0 : i32
    %dma_wait3A_136 = tpu.memref_slice %arg4[%dma_wait3A_133, %dma_wait3A_134, %dma_wait3A_135] : memref<4096x50x192xf32, #tpu.memory_space<hbm>> -> memref<4x50x192xf32, #tpu.memory_space<hbm>>
    tpu.wait_dma2 semaphore(%arg10 : memref<!tpu.dma_semaphore, #tpu.memory_space<semaphore_mem>>) src(%arg8 : memref<4x50x192xf32, #tpu.memory_space<vmem>>) dst(%dma_wait3A_136 : memref<4x50x192xf32, #tpu.memory_space<hbm>>)
    return
  }
}

module attributes {stable_mosaic.version = 14 : i64} {
  func.func @_table_body(%arg0: memref<24x128xf32, #tpu.memory_space<vmem>>, %arg1: memref<2x64xf32, #tpu.memory_space<vmem>>, %arg2: memref<1x64xf32, #tpu.memory_space<vmem>>, %arg3: memref<64x64xf32, #tpu.memory_space<vmem>>, %arg4: memref<1x64xf32, #tpu.memory_space<vmem>>, %arg5: memref<24x192xf32, #tpu.memory_space<vmem>>) attributes {dimension_semantics = [], scalar_prefetch = 0 : i64, scratch_operands = 0 : i64, tpu.core_type = #tpu.core_type<tc>} {
    %iota3A = tpu.iota {dimensions = array<i32: 0>} : vector<24x64xi32>
    %convert_element_type3A = arith.sitofp %iota3A : vector<24x64xi32> to vector<24x64xf32>
    %mul3A = arith.constant 6.28318548 : f32
    %mul3A_0 = vector.broadcast %mul3A : f32 to vector<24x64xf32>
    %mul3A_1 = arith.mulf %mul3A_0, %convert_element_type3A : vector<24x64xf32>
    %div3A = arith.constant 2.400000e+01 : f32
    %div3A_2 = vector.broadcast %div3A : f32 to vector<24x64xf32>
    %div3A_3 = arith.divf %mul3A_1, %div3A_2 : vector<24x64xf32>
    %sin3A = math.sin %div3A_3 : vector<24x64xf32>
    %cos3A = math.cos %div3A_3 : vector<24x64xf32>
    %get3A = arith.constant 0 : index
    %get3A_4 = arith.constant 0 : index
    %get3A_5 = vector.load %arg1[%get3A, %get3A_4] : memref<2x64xf32, #tpu.memory_space<vmem>>, vector<1x64xf32>
    %mul3A_6 = vector.broadcast %get3A_5 : vector<1x64xf32> to vector<24x64xf32>
    %mul3A_7 = arith.mulf %sin3A, %mul3A_6 : vector<24x64xf32>
    %get3A_8 = arith.constant 1 : index
    %get3A_9 = arith.constant 0 : index
    %get3A_10 = vector.load %arg1[%get3A_8, %get3A_9] : memref<2x64xf32, #tpu.memory_space<vmem>>, vector<1x64xf32>
    %mul3A_11 = vector.broadcast %get3A_10 : vector<1x64xf32> to vector<24x64xf32>
    %mul3A_12 = arith.mulf %cos3A, %mul3A_11 : vector<24x64xf32>
    %add3A = arith.addf %mul3A_7, %mul3A_12 : vector<24x64xf32>
    %get3A_13 = arith.constant 0 : index
    %get3A_14 = arith.constant 0 : index
    %get3A_15 = vector.load %arg2[%get3A_13, %get3A_14] : memref<1x64xf32, #tpu.memory_space<vmem>>, vector<1x64xf32>
    %add3A_16 = vector.broadcast %get3A_15 : vector<1x64xf32> to vector<24x64xf32>
    %add3A_17 = arith.addf %add3A, %add3A_16 : vector<24x64xf32>
    %max3A = arith.constant 0.000000e+00 : f32
    %max3A_18 = vector.broadcast %max3A : f32 to vector<24x64xf32>
    %max3A_19 = arith.maximumf %add3A_17, %max3A_18 : vector<24x64xf32>
    %get3A_20 = arith.constant 0 : index
    %get3A_21 = arith.constant 0 : index
    %get3A_22 = vector.load %arg3[%get3A_20, %get3A_21] : memref<64x64xf32, #tpu.memory_space<vmem>>, vector<64x64xf32>
    %dot_general3A = arith.constant dense<0.000000e+00> : vector<24x64xf32>
    %dot_general3A_23 = tpu.matmul %max3A_19, %get3A_22, %dot_general3A {dimension_numbers = #tpu.dot_dimension_numbers<[1], [0], [0], [1], [0, 0, 1, 1], [], []>, transpose_lhs_hint = false} : vector<24x64xf32>, vector<64x64xf32>, vector<24x64xf32> -> vector<24x64xf32>
    %get3A_24 = arith.constant 0 : index
    %get3A_25 = arith.constant 0 : index
    %get3A_26 = vector.load %arg4[%get3A_24, %get3A_25] : memref<1x64xf32, #tpu.memory_space<vmem>>, vector<1x64xf32>
    %add3A_27 = vector.broadcast %get3A_26 : vector<1x64xf32> to vector<24x64xf32>
    %add3A_28 = arith.addf %dot_general3A_23, %add3A_27 : vector<24x64xf32>
    %get3A_29 = arith.constant 0 : index
    %get3A_30 = arith.constant 0 : index
    %get3A_31 = vector.load %arg0[%get3A_29, %get3A_30] : memref<24x128xf32, #tpu.memory_space<vmem>>, vector<24x128xf32>
    %swap3A = arith.constant 0 : index
    %swap3A_32 = arith.constant 0 : index
    %swap3A_33 = vector.load %arg5[%swap3A, %swap3A_32] : memref<24x192xf32, #tpu.memory_space<vmem>>, vector<24x128xf32>
    tpu.vector_store %arg5[%swap3A, %swap3A_32], %get3A_31 {strides = array<i32>} : memref<24x192xf32, #tpu.memory_space<vmem>>, vector<24x128xf32>,
    %swap3A_34 = arith.constant 0 : index
    %swap3A_35 = arith.constant 128 : index
    %swap3A_36 = vector.load %arg5[%swap3A_34, %swap3A_35] : memref<24x192xf32, #tpu.memory_space<vmem>>, vector<24x64xf32>
    tpu.vector_store %arg5[%swap3A_34, %swap3A_35], %add3A_28 {strides = array<i32>} : memref<24x192xf32, #tpu.memory_space<vmem>>, vector<24x64xf32>,
    return
  }
}

</mosaic_0001>

<sc_bundles>
// kernel: kernel.4.cloned.1.call-start
scs
__scs_entry_jumppad:
0x0: {  	(pc) =	sbr.rel $0x88, $3  }
0x1: {  	(tag) =	ssettag $0x0;
	lr =	simm.s32 $0x1  }
0x2: {  	[smem:$0x3F9B] =	sst lr;
	_ =	strace $0xD0000000  }
0x3: {  	_ = 	snop  }
0x4: {  	_ = 	snop  }
0x5: {  	_ = 	snop  }
0x6: {  	_ = 	snop  }
0x7: {  	_ = 	snop  }
__scs_overlays_trampoline_lowered:
0x8: {  	[smem:$0x3FAA] =	sst s0  }
0x9: {  	[smem:$0x3FAB] =	sst s1  }
0xa: {  	[smem:$0x3FAC] =	sst s2  }
0xb: {  	[smem:$0x3FAD] =	sst s3  }
0xc: {  	[smem:$0x3FAE] =	sst s4  }
0xd: {  	[smem:$0x3FAF] =	sst s5  }
0xe: {  	[smem:$0x3FB0] =	sst s6  }
0xf: {  	[smem:$0x3FB1] =	sst s7  }
0x10: {  	[smem:$0x3FB2] =	sst s8  }
0x11: {  	[smem:$0x3FB3] =	sst s9;
	s0 =	simm.s32 @!p0 $0x0  }
0x12: {  	s1 =	sld [smem:$0x3F99];
	s0 =	simm.s32 @p0 $0x1  }
0x13: {  	[smem:$0x3FB4] =	sst s0;
	s0 =	simm.s32 @!p1 $0x0  }
0x14: {  	s2 =	sld [smem:$0x3F98];
	s0 =	simm.s32 @p1 $0x1  }
0x15: {  	[smem:$0x3FB5] =	sst s0;
	s0 =	simm.s32 @!p2 $0x0  }
0x16: {  	s3 =	sld [smem:$0x3FDB];
	s0 =	simm.s32 @p2 $0x1  }
0x17: {  	s4 =	simm.s32 $0x1BF5;
	[smem:$0x3FB7] =	sst s0  }
0x18: {  	s0 =	sld [smem:$0x3F9A];
	_ =	swait.ge [sflag:s4], $0x0  }
0x19: {  	s7 =	sld [smem:$0x3F9B]  }
0x1a: {  	s8 =	sadd.s32 $0xFFFFE003, lr  }
0x1b: {  	s9 =	sadd.s32 $0xFFFFFEF7, lr;
	s5 =	simm.s32 $0xFFFFFFFF;
	p2 =	slt.u32 s8, $0xFFFFF086  }
0x1c: {  	p1 =	slt.u32 s9, $0xF7A;
	s5 =	simm.s32 @!p2 $0x0  }
0x1d: {  	s5 =	simm.s32 @p1 $0x1;
	p0 =	seq.s32 s7, s2  }
0x1e: {  	s7 =	smul.u32 @!p0 $0xF7A, s2;
	p2 =	seq.s32 @!p0 s5, $0x0  }
0x1f: {  	s9 =	smul.u32 $0xF7A, s1;
	s8 =	simm.s32 @!p0 $0x1BF5;
	p2 =	por !p2, p0  }
0x20: {  	[sflag:s8] =	ssyncset.s32 @!p0 $0xFFFFF086;
	s6 =	sadd.s32 @!p0 s3, s7;
	s7 =	simm.s32 @!p0 $0x108  }
0x21: {  	s3 =	sadd.s32 s3, s9;
	s6 =	sadd.s32 @!p0 $0x88, s6;
	s7 =	simm.s32 @p2 $0x1082  }
0x22: {  	[simem:s7], [sflag:s8] =	dma.local @!p0 [hbm:s6], $0xF7A  }
0x23: {  	s9 =	sor.u32 $0xD0000000, s2;
	s6 =	simm.s32 $0x108;
	_ =	swait.ge @!p0 [sflag:s8], $0x0  }
0x24: {  	s3 =	sadd.s32 $0x88, s3;
	s6 =	simm.s32 @!p1 $0x1082;
	[sflag:s4] =	ssyncset.s32 $0xFFFFF086  }
0x25: {  	[simem:s6], [sflag:s4] =	dma.local [hbm:s3], $0xF7A  }
0x26: {  	[smem:$0x3F9B] =	sst s1;
	(tag) =	ssettag s2;
	_ =	strace s9  }
0x27: {  	s1 =	sld [smem:$0x3FAB]  }
0x28: {  	s2 =	sld [smem:$0x3FAC]  }
0x29: {  	s4 =	sld [smem:$0x3FAE]  }
0x2a: {  	p0 =	seq.s32 s5, $0x0;
	s5 =	sld [smem:$0x3FAF]  }
0x2b: {  	s6 =	sld [smem:$0x3FB0]  }
0x2c: {  	s7 =	sld [smem:$0x3FB1]  }
0x2d: {  	s3 =	simm.s32 $0x108;
	s8 =	sld [smem:$0x3FB2]  }
0x2e: {  	s3 =	simm.s32 @!p0 $0x1082;
	s9 =	sld [smem:$0x3FB3]  }
0x2f: {  	lr =	sadd.s32 s0, s3;
	s0 =	sld [smem:$0x3FAA]  }
0x30: {  	s3 =	sld [smem:$0x3FAD]  }
0x31: {  	[smem:$0x3FB6] =	sst s10  }
0x32: {  	s10 =	sld [smem:$0x3FB4];
	_ =	sdelay $0x3  }
0x33: {  	p0 =	seq.s32 s10, $0x1;
	s10 =	sld [smem:$0x3FB6];
	_ =	sdelay $0x3  }
0x34: {  	[smem:$0x3FB6] =	sst s10  }
0x35: {  	s10 =	sld [smem:$0x3FB5];
	_ =	sdelay $0x3  }
0x36: {  	p1 =	seq.s32 s10, $0x1;
	s10 =	sld [smem:$0x3FB6];
	_ =	sdelay $0x3  }
0x37: {  	[smem:$0x3FB6] =	sst s10  }
0x38: {  	s10 =	sld [smem:$0x3FB7]  }
0x39: {  	_ = 	snop;
	(pc) =	sbr.ind lr, $3  }
0x3a: {  	_ = 	snop  }
0x3b: {  	_ = 	snop  }
0x3c: {  	p2 =	seq.s32 s10, $0x1;
	s10 =	sld [smem:$0x3FB6]  }
0x3d: {  	_ =	shalt  }
0x3e: {  	_ =	shalt  }
0x3f: {  	_ =	shalt  }
0x40: {  	_ =	shalt  }
0x41: {  	_ =	shalt  }
0x42: {  	_ =	shalt  }
0x43: {  	_ =	shalt  }
0x44: {  	_ =	shalt  }
0x45: {  	_ =	shalt  }
0x46: {  	_ =	shalt  }
0x47: {  	_ =	shalt  }
0x48: {  	_ =	shalt  }
0x49: {  	_ =	shalt  }
0x4a: {  	_ =	shalt  }
0x4b: {  	_ =	shalt  }
0x4c: {  	_ =	shalt  }
0x4d: {  	_ =	shalt  }
0x4e: {  	_ =	shalt  }
0x4f: {  	_ =	shalt  }
0x50: {  	_ =	shalt  }
0x51: {  	_ =	shalt  }
0x52: {  	_ =	shalt  }
0x53: {  	_ =	shalt  }
0x54: {  	_ =	shalt  }
0x55: {  	_ =	shalt  }
0x56: {  	_ =	shalt  }
0x57: {  	_ =	shalt  }
0x58: {  	_ =	shalt  }
0x59: {  	_ =	shalt  }
0x5a: {  	_ =	shalt  }
0x5b: {  	_ =	shalt  }
0x5c: {  	_ =	shalt  }
0x5d: {  	_ =	shalt  }
0x5e: {  	_ =	shalt  }
0x5f: {  	_ =	shalt  }
0x60: {  	_ =	shalt  }
0x61: {  	_ =	shalt  }
0x62: {  	_ =	shalt  }
0x63: {  	_ =	shalt  }
0x64: {  	_ =	shalt  }
0x65: {  	_ =	shalt  }
0x66: {  	_ =	shalt  }
0x67: {  	_ =	shalt  }
0x68: {  	_ =	shalt  }
0x69: {  	_ =	shalt  }
0x6a: {  	_ =	shalt  }
0x6b: {  	_ =	shalt  }
0x6c: {  	_ =	shalt  }
0x6d: {  	_ =	shalt  }
0x6e: {  	_ =	shalt  }
0x6f: {  	_ =	shalt  }
0x70: {  	_ =	shalt  }
0x71: {  	_ =	shalt  }
0x72: {  	_ =	shalt  }
0x73: {  	_ =	shalt  }
0x74: {  	_ =	shalt  }
0x75: {  	_ =	shalt  }
0x76: {  	_ =	shalt  }
0x77: {  	_ =	shalt  }
0x78: {  	_ =	shalt  }
0x79: {  	_ =	shalt  }
0x7a: {  	_ =	shalt  }
0x7b: {  	_ =	shalt  }
0x7c: {  	_ =	shalt  }
0x7d: {  	_ =	shalt  }
0x7e: {  	_ =	shalt  }
0x7f: {  	_ =	shalt  }
0x80: {  	_ =	shalt  }
0x81: {  	_ =	shalt  }
0x82: {  	_ =	shalt  }
0x83: {  	_ =	shalt  }
0x84: {  	_ =	shalt  }
0x85: {  	_ =	shalt  }
0x86: {  	_ =	shalt  }
0x87: {  	_ =	shalt  }
.Lfunc_end0:
.L_simem_size_0:
called_computation_lowered:
.L_overlay_start_0:
0x88: {  	s2 =	sld [smem:$0x3FD9]  }
0x89: {  	s3 =	sld [smem:$0x3FFE];
	_ =	sdelay $0x1  }
0x8a: {  	s1 =	srdreg.scid  }
0x8b: {  	s0 =	sand.u32 $0x1, s1  }
0x8c: {  	s17 =	sshll.u32 s0, $0xA;
	s2 =	sadd.s32 s3, s2  }
0x8d: {  	s2 =	sadd.s32 s2, s17  }
0x8e: {  	[smem:$0x3FC2] =	sst s2  }
0x8f: {  	_ = 	snop  }
0x90: {  	s2 =	sld [smem:$0x3FD0];
	(tm) =	ssettm $0x1  }
0x91: {  	s18 =	sld [smem:$0x3FFB];
	_ =	sdelay $0x3  }
0x92: {  	_ =	strace s18  }
0x93: {  	s3 =	sld [smem:$0x3FFC];
	_ =	sdelay $0x3  }
0x94: {  	_ =	strace s3  }
0x95: {  	s3 =	sld [smem:$0x3FFD];
	_ =	sdelay $0x3  }
0x96: {  	_ =	strace s3  }
0x97: {  	_ =	strace $0x8FFFFFFF  }
0x98: {  	s19 =	sld [smem:$0x3FDB];
	_ =	sdelay $0x1  }
0x99: {  	s4 =	simm.s32 $_scs_section_size  }
0x9a: {  	s5 =	simm.s32 $_size__tile_overlayer_lowered;
	s6 =	simm.s32 $_tile_overlayer_lowered  }
0x9b: {  	s22 =	simm.s32 $0x1BFF;
	s21 =	sshll.u32 s6, $0x1;
	s3 =	sadd.s32 s4, s19  }
0x9c: {  	s7 =	simm.s32 $0x0;
	s20 =	sshll.u32 s5, $0x1;
	s5 =	sadd.s32 s21, s3  }
0x9d: {  	[timem:s7], [sflag:s22] =	dma.local [hbm:s5], s20  }
0x9e: {  	_ =	swait.ge [sflag:s22], s20  }
0x9f: {  	s4 =	ssub.s32 $0x0, s20;
	[sflag:s22] =	ssyncset.done $0x0  }
0xa0: {  	[sflag:s22] =	ssyncadd.s32 s4;
	_ =	sdelay $0x1  }
0xa1: {  	s23 =	simm.s32 $0x1B8B  }
0xa2: {  	_ =	swait.ge [sflag:s23], $0x1  }
0xa3: {  	[sflag:s23] =	ssyncset.done $0x0  }
0xa4: {  	s25 =	simm.s32 $0x1B8E;
	s24 =	sld [smem:$0x3FFE];
	[sflag:s23] =	ssyncadd.s32 $0xFFFFFFFF  }
0xa5: {  	s26 =	simm.s32 $execute0_lowered;
	[smem:$0x3FD2] =	sst s25  }
0xa6: {  	s5 =	sshll.u32 s26, $0x1;
	_ =	strace $0x80000046;
	[dreg:$0x1] =	wrdreg $0xFFFFFFFF  }
0xa7: {  	s28 =	simm.s32 $_size_execute0_lowered;
	s3 =	sadd.s32 s3, s5;
	[dreg:$0x0] =	wrdreg $0x0  }
0xa8: {  	s5 =	sshll.u32 s28, $0x1;
	[dreg:$0x2] =	wrdreg s3  }
0xa9: {  	[dreg:$0x3] =	wrdreg s5  }
0xaa: {  	[dreg:$0x4] =	wrdreg $0xC0  }
0xab: {  	_ =	task [dreg:s7], $0x5FFFF  }
0xac: {  	[dreg:$0x1] =	wrdreg $0xFFFFFFFF  }
0xad: {  	[dreg:$0x0] =	wrdreg $0x60  }
0xae: {  	[dreg:$0x2] =	wrdreg s24  }
0xaf: {  	[dreg:$0x3] =	wrdreg s2  }
0xb0: {  	[dreg:$0x4] =	wrdreg $0x9  }
0xb1: {  	_ =	task.clear_ibuf [dreg:s7], $0x5FFFF;
	_ =	strace $0x90000046  }
0xb2: {  	s29 =	simm.s32 $0x9;
	_ =	strace $0x80000048  }
0xb3: {  	_ =	swait.ge [sflag:s29], $0x1  }
0xb4: {  	[sflag:s29] =	ssyncadd.s32 $0xFFFFFFFF  }
0xb5: {  	_ =	strace $0x90000048  }
0xb6: {  	_ =	sfence  }
0xb7: {  	s30 =	sld [smem:$0x0];
	_ =	sdelay $0x2  }
0xb8: {  	s31 =	sshll.u32 s1, $0xD;
	s1 =	sshrl.u32 s1, $0x2  }
0xb9: {  	s3 =	sand.u32 $0x4000, s31;
	s1 =	sadd.s32 s1, s30  }
0xba: {  	s0 =	sor.u32 s3, s0;
	s1 =	sshll.u32 s1, $0x11  }
0xbb: {  	s0 =	sor.u32 s1, s0  }
0xbc: {  	s0 =	sadd.s32 $0x8F2B, s0  }
0xbd: {  	[sflag:s0] =	ssyncadd.remote.s32 $0x1  }
0xbe: {  	_ =	sfence.sel $0xFFFF  }
0xbf: {  	[dreg:$0x0] =	wrdreg $0xFFFFFFFF;
	(pc) =	sbr.abs _section_cstart, $3  }
0xc0: {  	[dreg:$0x1] =	wrdreg $0xFFFFFFFF  }
0xc1: {  	_ =	task.clear_ibuf [dreg:s7], $0x2FFFF;
	_ =	strace $0x9FFFFFFF  }
0xc2: {  	(tm) =	ssettm $0x7FFFFFFF  }
0xc3: {  	_ =	shalt  }
tec
execute0_lowered:
.L_overlay_start_1:
0x0: {  	(tag) =	ssettag $0x1  }
0x1: {  	v0 =	vimm.s32 $0xD880;
	vm0 =	vcmask $0x300  }
0x2: {  	vm14 =	vcmask $0x704;
	v0 =	vsel vm0, $0xC900, v0  }
0x3: {  	vm15 =	vcmask $0xB08;
	v0 =	vsel vm14, $0xC980, v0  }
0x4: {  	vm4 =	vcmask $0xF0C;
	v0 =	vsel vm15, $0xCA00, v0  }
0x5: {  	vm5 =	vcmask $0x1310;
	v0 =	vsel vm4, $0xCA80, v0  }
0x6: {  	s4 =	rddreg [dreg:$0x0];
	vm6 =	vcmask $0x1714;
	v0 =	vsel vm5, $0xCB00, v0  }
0x7: {  	s1 =	srdreg.scid;
	s0 =	stileid.u32;
	vm7 =	vcmask $0x1B18;
	v0 =	vsel vm6, $0xCB80, v0  }
0x8: {  	s6 =	rddreg [dreg:$0x1];
	vm8 =	vcmask $0x1F1C;
	s2 =	simm.s32 $0x0;
	s11 =	simm.s32 $0x3;
	v0 =	vsel vm7, $0xD000, v0  }
0x9: {  	vm9 =	vcmask $0x2320;
	s12 =	simm.s32 $0x2B00;
	s13 =	simm.s32 $0x10B00;
	s14 =	simm.s32 $0x1;
	v0 =	vsel vm8, $0xD080, v0  }
0xa: {  	vm10 =	vcmask $0x2724;
	s15 =	simm.s32 $0x2;
	s3 =	sand.u32 $0x1, s1;
	s5 =	sshll.u32 s0, $0x1;
	v0 =	vsel vm9, $0xD100, v0  }
0xb: {  	vm11 =	vcmask $0x2B28;
	s16 =	simm.s32 $0x0;
	s1 =	rddreg [dreg:$0x2];
	s5 =	sor.u32 s3, s5;
	v0 =	vsel vm10, $0xD180, v0  }
0xc: {  	vm12 =	vcmask $0x2F2C;
	[smem:$0x7FF] =	sst s2;
	s7 =	ssub.s32 $0x2, s3;
	s8 =	smul.u32 $0x320, s5;
	v0 =	vsel vm11, $0xD200, v0  }
0xd: {  	vm13 =	vcmask $0x3330;
	_ =	strace $0x80000047;
	s3 =	sadd.s32 $0xE00, s4;
	s10 =	smul.u32 $0x38000, s5;
	v0 =	vsel vm12, $0xD280, v0  }
0xe: {  	s4 =	sadd.s32 $0x1200, s4;
	vm14 =	vcmask $0x3734;
	s9 =	sshrl.u32 s7, $0x1;
	s5 =	sshll.u32 s5, $0x7;
	v1 =	vsel vm13, $0xD300, v0  }
0xf: {  	vm15 =	vcmask $0x3B38;
	s9 =	ssub.s32 s7, s9;
	s6 =	sadd.s32 s6, s8;
	s7 =	sadd.s32 s4, s10;
	v0 =	vlaneseq.u32;
	v3 =	vsel vm14, $0xD380, v1  }
0x10: {  	v2 =	vimm.s32 $0x0;
	s9 =	smax.u32 s9, $0x1;
	s10 =	simm.s32 $0x1900;
	s8 =	sadd.s32 $0x1C00, s7;
	v1 =	vmul.u32 $0xFFFFFFFF, v0;
	v3 =	vsel vm15, $0xD800, v3  }
.LBB2_1:
0x11: {  	[tilespmem:s10], [sflag:$0x3] =	stream.linear.gather [hbm4b:s3+s2], $0x1200, $0x38;
	[tilespmem:$0x1EB00] =	vst v63  }
0x12: {  	_ =	swait.ge [sflag:s11], $0x1200  }
0x13: {  	[sflag:s11] =	ssyncset.done $0x0  }
0x14: {  	[sflag:s11] =	ssyncadd.s32 $0xFFFFEE00  }
0x15: {  	[tilespmem:s2], [sflag:$0x3] =	stream.linear.gather [hbm4b:s6+s2], $0x1900, $0x38;
	[tilespmem:$0x1EB00] =	vst v63  }
0x16: {  	_ =	swait.ge [sflag:s11], $0x1900  }
0x17: {  	[sflag:s11] =	ssyncset.done $0x0  }
0x18: {  	s17 =	simm.s32 $0x0;
	[sflag:s11] =	ssyncadd.s32 $0xFFFFE700  }
.LBB2_2:
0x19: {  	s18 =	sshll.u32 s17, $0x4  }
0x1a: {  	v4 =	vmov s18  }
0x1b: {  	v4 =	vbroadcast v4, $0x0;
	_ =	sdelay $0x1  }
0x1c: {  	v5 =	vor.u32 v0, v4  }
0x1d: {  	v6 =	vmulhi.u32 $0x51EB851F, v5;
	_ =	sdelay $0x1  }
0x1e: {  	v6 =	vshrl.u32 v6, $0x4  }
0x1f: {  	v7 =	vmul.u32 $0xFFFFFFCE, v6  }
0x20: {  	v8 =	vsub.s32 v1, v4  }
0x21: {  	s19 =	simm.s32 $0xE;
	s22 =	simm.s32 $0xB;
	vm0 =	veq.s32 v4, v0;
	vm1 =	vne.s32 v7, v8  }
0x22: {  	s23 =	simm.s32 $0xA;
	s24 =	simm.s32 $0x9;
	v9 =	vxor.u32 s19, v0;
	v10 =	vxor.u32 s22, v0;
	vm0 =	vmand vm0, vm1  }
0x23: {  	s25 =	simm.s32 $0x8;
	s26 =	simm.s32 $0x7;
	v11 =	vmov s23;
	v15 =	vmov s24;
	v7 =	vld [tilespmem:s18+$0x0];
	v4 =	vsel vm0, $0xFFFFFFFF, v2  }
0x24: {  	s28 =	simm.s32 $0x6;
	s29 =	simm.s32 $0x5;
	v16 =	vxor.u32 s25, v0;
	v21 =	vmov s26;
	v4 =	vadd.s32 v4, v6  }
0x25: {  	v26 =	vmov s28;
	v28 =	vxor.u32 s29, v0;
	v6 =	vmul.u32 $0xFFFFFFCE, v4  }
0x26: {  	v11 =	vshll.u32 v11, $0x3;
	v21 =	vshll.u32 v21, $0x3;
	v26 =	vshll.u32 v26, $0x3  }
0x27: {  	v29 =	vand.u32 $0x7F, v28;
	v11 =	vand.u32 $0x400, v11;
	v6 =	vadd.s32 v5, v6  }
0x28: {  	v21 =	vand.u32 $0x400, v21;
	v5 =	vmul.u32 $0xC0, v7;
	v8 =	vshll.u32 v6, $0x8  }
0x29: {  	s30 =	simm.s32 $0x0;
	v4 =	vmul.u32 $0x3800, v4;
	v6 =	vshll.u32 v6, $0x7;
	v7 =	vand.u32 $0xFFFFF800, v8  }
0x2a: {  	v6 =	vand.u32 $0x380, v6;
	v8 =	vor.u32 s30, v0;
	v17 =	vadd.s32 v5, v9  }
0x2b: {  	v20 =	vadd.s32 v5, v10;
	v4 =	vadd.s32 v4, v7;
	v7 =	vmov s30  }
0x2c: {  	v31 =	vadd.s32 v5, v16;
	v12 =	vadd.s32 v5, v8;
	v7 =	vshll.u32 v7, $0x3  }
0x2d: {  	s30 =	simm.s32 $0x4;
	v4 =	vor.u32 v4, v6;
	v6 =	vand.u32 $0x7F, v8;
	v8 =	vmov s19  }
0x2e: {  	s31 =	simm.s32 $0xF;
	v33 =	vmov s30;
	v7 =	vand.u32 $0x400, v7;
	v8 =	vshll.u32 v8, $0x3  }
0x2f: {  	v6 =	vor.u32 v7, v6;
	v7 =	vmov s31;
	v8 =	vand.u32 $0x400, v8  }
0x30: {  	v14 =	vor.u32 v4, v6;
	v6 =	vxor.u32 s31, v0;
	v7 =	vshll.u32 v7, $0x3  }
0x31: {  	s31 =	simm.s32 $0x3;
	v13 =	vadd.s32 v5, v6;
	v6 =	vand.u32 $0x7F, v6;
	v7 =	vand.u32 $0x400, v7  }
0x32: {  	s20 =	simm.s32 $0xD;
	v32 =	vld.idx.msk [tilespmem:v17+s10+$0x0], $0xffff;
	v17 =	vadd.s32 v5, v28;
	v28 =	vxor.u32 s31, v0;
	v6 =	vor.u32 v7, v6  }
0x33: {  	v7 =	vand.u32 $0x7F, v9;
	v9 =	vxor.u32 s20, v0;
	v22 =	vor.u32 v4, v6  }
0x34: {  	v6 =	vmov s20;
	v7 =	vor.u32 v8, v7;
	v8 =	vand.u32 $0x7F, v9  }
0x35: {  	s21 =	simm.s32 $0xC;
	v18 =	vadd.s32 v5, v9;
	v9 =	vmov s22;
	v6 =	vshll.u32 v6, $0x3  }
0x36: {  	v30 =	vor.u32 v4, v7;
	v7 =	vmov s21;
	v9 =	vshll.u32 v9, $0x3  }
0x37: {  	v6 =	vand.u32 $0x400, v6;
	v7 =	vshll.u32 v7, $0x3;
	v9 =	vand.u32 $0x400, v9  }
0x38: {  	v6 =	vor.u32 v6, v8;
	v8 =	vxor.u32 s21, v0;
	v7 =	vand.u32 $0x400, v7  }
0x39: {  	v6 =	vor.u32 v4, v6;
	v19 =	vadd.s32 v5, v8;
	v8 =	vand.u32 $0x7F, v8  }
0x3a: {  	v7 =	vor.u32 v7, v8;
	v8 =	vand.u32 $0x7F, v10;
	v10 =	vxor.u32 s23, v0  }
0x3b: {  	v7 =	vor.u32 v4, v7;
	v8 =	vor.u32 v9, v8;
	v9 =	vand.u32 $0x7F, v10  }
0x3c: {  	v23 =	vadd.s32 v5, v10;
	v10 =	vxor.u32 s24, v0;
	v9 =	vor.u32 v11, v9  }
0x3d: {  	v11 =	vshll.u32 v15, $0x3;
	v25 =	vadd.s32 v5, v10;
	v15 =	vmov s25  }
0x3e: {  	v10 =	vand.u32 $0x7F, v10;
	v11 =	vand.u32 $0x400, v11;
	v15 =	vshll.u32 v15, $0x3  }
0x3f: {  	v27 =	vld.idx.msk [tilespmem:v13+s10+$0x0], $0xffff;
	v10 =	vor.u32 v11, v10;
	v11 =	vand.u32 $0x7F, v16;
	v16 =	vxor.u32 s26, v0  }
0x40: {  	v8 =	vor.u32 v4, v8;
	v15 =	vand.u32 $0x400, v15;
	v24 =	vand.u32 $0x7F, v16  }
0x41: {  	v11 =	vor.u32 v15, v11;
	v15 =	vadd.s32 v5, v16;
	v16 =	vor.u32 v21, v24;
	v24 =	vld.idx.msk [tilespmem:v12+s10+$0x0], $0xffff  }
0x42: {  	v9 =	vor.u32 v4, v9;
	v10 =	vor.u32 v4, v10;
	v21 =	vxor.u32 s28, v0  }
0x43: {  	v11 =	vor.u32 v4, v11;
	v12 =	vor.u32 v4, v16;
	v16 =	vadd.s32 v5, v21  }
0x44: {  	[tilespmem:v22+s12+$0x0] =	vst.idx.msk $0xffff, v27;
	v13 =	vand.u32 $0x7F, v21;
	v21 =	vand.u32 $0x400, v26;
	v26 =	vmov s29;
	v22 =	vld.idx.msk [tilespmem:v25+s10+$0x0], $0xffff  }
0x45: {  	v25 =	vadd.s32 v5, v28;
	v13 =	vor.u32 v21, v13;
	v26 =	vshll.u32 v26, $0x3;
	v21 =	vld.idx.msk [tilespmem:v18+s10+$0x0], $0xffff  }
0x46: {  	v18 =	vld.idx.msk [tilespmem:v19+s10+$0x0], $0xffff;
	v13 =	vor.u32 v4, v13;
	v26 =	vand.u32 $0x400, v26;
	[tilespmem:v14+s12+$0x0] =	vst.idx.msk $0xffff, v24;
	v24 =	vxor.u32 s30, v0  }
0x47: {  	v19 =	vld.idx.msk [tilespmem:v20+s10+$0x0], $0xffff;
	v26 =	vor.u32 v26, v29;
	v14 =	vshll.u32 v33, $0x3;
	v29 =	vand.u32 $0x7F, v24  }
0x48: {  	s20 =	simm.s32 $0x2;
	v20 =	vld.idx.msk [tilespmem:v23+s10+$0x0], $0xffff;
	v33 =	vand.u32 $0x400, v14;
	v14 =	vor.u32 v4, v26;
	v24 =	vadd.s32 v5, v24  }
0x49: {  	s18 =	simm.s32 $0x10;
	s19 =	simm.s32 $0x1;
	[tilespmem:v30+s12+$0x0] =	vst.idx.msk $0xffff, v32;
	v23 =	vld.idx.msk [tilespmem:v31+s10+$0x0], $0xffff;
	v26 =	vxor.u32 s20, v0;
	v27 =	vor.u32 v33, v29;
	v29 =	vmov s31  }
.LBB2_3:
0x4a: {  	p0 =	slt.u32 s18, $0xB0;
	v30 =	vxor.u32 s19, v0;
	v31 =	vadd.s32 v5, v26;
	v29 =	vshll.u32 v29, $0x3;
	v15 =	vld.idx.msk [tilespmem:v15+s10+$0x0], $0xffff;
	[tilespmem:v6+s12+$0x0] =	vst.idx.msk $0xffff, v21  }
0x4b: {  	v21 =	vand.u32 $0x7F, v28;
	v6 =	vadd.s32 v5, v30;
	v28 =	vand.u32 $0x400, v29;
	v16 =	vld.idx.msk [tilespmem:v16+s10+$0x0], $0xffff;
	[tilespmem:v7+s12+$0x0] =	vst.idx.msk $0xffff, v18  }
0x4c: {  	v7 =	vmov s20;
	v18 =	vor.u32 v28, v21;
	v21 =	vor.u32 v4, v27;
	v17 =	vld.idx.msk [tilespmem:v17+s10+$0x0], $0xffff;
	[tilespmem:v8+s12+$0x0] =	vst.idx.msk $0xffff, v19  }
0x4d: {  	v8 =	vmov s19;
	v7 =	vshll.u32 v7, $0x3;
	v18 =	vor.u32 v4, v18;
	v19 =	vld.idx.msk [tilespmem:v24+s10+$0x0], $0xffff;
	[tilespmem:v9+s12+$0x0] =	vst.idx.msk $0xffff, v20  }
0x4e: {  	v8 =	vshll.u32 v8, $0x3;
	v9 =	vand.u32 $0x7F, v26;
	v7 =	vand.u32 $0x400, v7;
	v20 =	vld.idx.msk [tilespmem:v25+s10+$0x0], $0xffff;
	[tilespmem:v10+s12+$0x0] =	vst.idx.msk $0xffff, v22  }
0x4f: {  	v10 =	vand.u32 $0x7F, v30;
	v8 =	vand.u32 $0x400, v8;
	v7 =	vor.u32 v7, v9;
	v22 =	vld.idx.msk [tilespmem:v31+s10+$0x0], $0xffff;
	[tilespmem:v11+s12+$0x0] =	vst.idx.msk $0xffff, v23  }
0x50: {  	v9 =	vmov s18;
	v8 =	vor.u32 v8, v10;
	v7 =	vor.u32 v4, v7;
	v6 =	vld.idx.msk [tilespmem:v6+s10+$0x0], $0xffff;
	[tilespmem:v12+s12+$0x0] =	vst.idx.msk $0xffff, v15  }
0x51: {  	v10 =	vor.u32 s18, v0;
	v9 =	vshll.u32 v9, $0x3;
	v8 =	vor.u32 v4, v8;
	[tilespmem:v13+s12+$0x0] =	vst.idx.msk $0xffff, v16  }
0x52: {  	s19 =	sadd.s32 $0xF, s18;
	v11 =	vand.u32 $0x7F, v10;
	v9 =	vand.u32 $0x400, v9;
	[tilespmem:v14+s12+$0x0] =	vst.idx.msk $0xffff, v17  }
0x53: {  	v12 =	vadd.s32 v5, v10;
	v10 =	vmov s19;
	v9 =	vor.u32 v9, v11;
	[tilespmem:v21+s12+$0x0] =	vst.idx.msk $0xffff, v19  }
0x54: {  	v10 =	vshll.u32 v10, $0x3;
	v14 =	vor.u32 v4, v9;
	v9 =	vxor.u32 s19, v0;
	[tilespmem:v18+s12+$0x0] =	vst.idx.msk $0xffff, v20  }
0x55: {  	s19 =	sadd.s32 $0xE, s18;
	v10 =	vand.u32 $0x400, v10;
	v13 =	vadd.s32 v5, v9;
	v9 =	vand.u32 $0x7F, v9;
	[tilespmem:v7+s12+$0x0] =	vst.idx.msk $0xffff, v22  }
0x56: {  	v11 =	vxor.u32 s19, v0;
	v9 =	vor.u32 v10, v9;
	v7 =	vmov s19;
	[tilespmem:v8+s12+$0x0] =	vst.idx.msk $0xffff, v6  }
0x57: {  	s19 =	sadd.s32 $0xD, s18;
	v22 =	vor.u32 v4, v9;
	v6 =	vand.u32 $0x7F, v11;
	v7 =	vshll.u32 v7, $0x3  }
0x58: {  	v17 =	vadd.s32 v5, v11;
	v8 =	vmov s19;
	v7 =	vand.u32 $0x400, v7  }
0x59: {  	v9 =	vxor.u32 s19, v0;
	v8 =	vshll.u32 v8, $0x3;
	v6 =	vor.u32 v7, v6  }
0x5a: {  	s19 =	sadd.s32 $0xC, s18;
	v7 =	vand.u32 $0x7F, v9;
	v8 =	vand.u32 $0x400, v8;
	v30 =	vor.u32 v4, v6  }
0x5b: {  	v18 =	vadd.s32 v5, v9;
	v6 =	vmov s19;
	v7 =	vor.u32 v8, v7  }
0x5c: {  	v8 =	vxor.u32 s19, v0;
	v9 =	vshll.u32 v6, $0x3;
	v6 =	vor.u32 v4, v7  }
0x5d: {  	s19 =	sadd.s32 $0xB, s18;
	v19 =	vadd.s32 v5, v8;
	v7 =	vand.u32 $0x7F, v8;
	v8 =	vand.u32 $0x400, v9  }
0x5e: {  	v10 =	vxor.u32 s19, v0;
	v9 =	vmov s19;
	v7 =	vor.u32 v8, v7  }
0x5f: {  	s19 =	sadd.s32 $0xA, s18;
	v8 =	vand.u32 $0x7F, v10;
	v9 =	vshll.u32 v9, $0x3;
	v7 =	vor.u32 v4, v7  }
0x60: {  	v20 =	vadd.s32 v5, v10;
	v11 =	vmov s19;
	v9 =	vand.u32 $0x400, v9  }
0x61: {  	v10 =	vxor.u32 s19, v0;
	v11 =	vshll.u32 v11, $0x3;
	v8 =	vor.u32 v9, v8  }
0x62: {  	s19 =	sadd.s32 $0x9, s18;
	v9 =	vand.u32 $0x7F, v10;
	v11 =	vand.u32 $0x400, v11;
	v8 =	vor.u32 v4, v8  }
0x63: {  	v15 =	vmov s19;
	v23 =	vadd.s32 v5, v10;
	v9 =	vor.u32 v11, v9  }
0x64: {  	v10 =	vxor.u32 s19, v0;
	v11 =	vshll.u32 v15, $0x3;
	v9 =	vor.u32 v4, v9  }
0x65: {  	s19 =	sadd.s32 $0x8, s18;
	v25 =	vadd.s32 v5, v10;
	v10 =	vand.u32 $0x7F, v10;
	v11 =	vand.u32 $0x400, v11  }
0x66: {  	v15 =	vmov s19;
	v16 =	vxor.u32 s19, v0;
	v10 =	vor.u32 v11, v10  }
0x67: {  	s19 =	sadd.s32 $0x7, s18;
	v15 =	vshll.u32 v15, $0x3;
	v11 =	vand.u32 $0x7F, v16;
	v10 =	vor.u32 v4, v10  }
0x68: {  	v21 =	vmov s19;
	v31 =	vadd.s32 v5, v16;
	v15 =	vand.u32 $0x400, v15  }
0x69: {  	v16 =	vxor.u32 s19, v0;
	v21 =	vshll.u32 v21, $0x3;
	v11 =	vor.u32 v15, v11  }
0x6a: {  	s19 =	sadd.s32 $0x6, s18;
	v24 =	vand.u32 $0x7F, v16;
	v21 =	vand.u32 $0x400, v21;
	v11 =	vor.u32 v4, v11  }
0x6b: {  	v15 =	vadd.s32 v5, v16;
	v16 =	vor.u32 v21, v24;
	v26 =	vld.idx.msk [tilespmem:v12+s10+$0x0], $0xffff;
	v12 =	vmov s19  }
0x6c: {  	v21 =	vxor.u32 s19, v0;
	v24 =	vshll.u32 v12, $0x3;
	v12 =	vor.u32 v4, v16;
	v27 =	vld.idx.msk [tilespmem:v13+s10+$0x0], $0xffff  }
0x6d: {  	s19 =	sadd.s32 $0x5, s18;
	v16 =	vadd.s32 v5, v21;
	v13 =	vand.u32 $0x7F, v21;
	v21 =	vand.u32 $0x400, v24  }
0x6e: {  	v28 =	vxor.u32 s19, v0;
	v24 =	vmov s19;
	v13 =	vor.u32 v21, v13;
	v32 =	vld.idx.msk [tilespmem:v17+s10+$0x0], $0xffff  }
0x6f: {  	s19 =	sadd.s32 $0x4, s18;
	v29 =	vand.u32 $0x7F, v28;
	v24 =	vshll.u32 v24, $0x3;
	v13 =	vor.u32 v4, v13;
	v21 =	vld.idx.msk [tilespmem:v18+s10+$0x0], $0xffff  }
.Ltmp0:
0x70: {  	v33 =	vmov s19;
	v17 =	vadd.s32 v5, v28;
	v24 =	vand.u32 $0x400, v24;
	v18 =	vld.idx.msk [tilespmem:v19+s10+$0x0], $0xffff;
	(pc) =	sbr.rel @p0 .LBB2_3-.Ltmp0, $4  }
0x71: {  	v24 =	vor.u32 v24, v29;
	[tilespmem:v14+s12+$0x0] =	vst.idx.msk $0xffff, v26;
	v26 =	vxor.u32 s19, v0;
	v14 =	vshll.u32 v33, $0x3;
	v19 =	vld.idx.msk [tilespmem:v20+s10+$0x0], $0xffff  }
0x72: {  	s21 =	sadd.s32 $0x3, s18;
	v29 =	vand.u32 $0x7F, v26;
	v33 =	vand.u32 $0x400, v14;
	v14 =	vor.u32 v4, v24;
	v20 =	vld.idx.msk [tilespmem:v23+s10+$0x0], $0xffff;
	[tilespmem:v22+s12+$0x0] =	vst.idx.msk $0xffff, v27  }
0x73: {  	s20 =	sadd.s32 $0x2, s18;
	v28 =	vxor.u32 s21, v0;
	v24 =	vadd.s32 v5, v26;
	v27 =	vor.u32 v33, v29;
	v22 =	vld.idx.msk [tilespmem:v25+s10+$0x0], $0xffff  }
0x74: {  	s19 =	sadd.s32 $0x1, s18;
	s18 =	sadd.s32 $0x10, s18;
	v26 =	vxor.u32 s20, v0;
	v29 =	vmov s21;
	v25 =	vadd.s32 v5, v28;
	v23 =	vld.idx.msk [tilespmem:v31+s10+$0x0], $0xffff;
	[tilespmem:v30+s12+$0x0] =	vst.idx.msk $0xffff, v32  }
0x75: {  	_ =	sdelay $0x3  }
0x76: {  	v30 =	vxor.u32 s19, v0;
	v31 =	vadd.s32 v5, v26;
	v29 =	vshll.u32 v29, $0x3;
	[tilespmem:v6+s12+$0x0] =	vst.idx.msk $0xffff, v21;
	v51 =	vld.idx.msk [tilespmem:v15+s10+$0x0], $0xffff  }
0x77: {  	v52 =	vand.u32 $0x7F, v28;
	[tilespmem:v7+s12+$0x0] =	vst.idx.msk $0xffff, v18;
	v54 =	vld.idx.msk [tilespmem:v16+s10+$0x0], $0xffff;
	v55 =	vmov s20;
	v56 =	vor.u32 v4, v27  }
0x78: {  	v57 =	vld.idx.msk [tilespmem:v17+s10+$0x0], $0xffff;
	v58 =	vmov s19;
	v60 =	vand.u32 $0x7F, v26;
	v5 =	vadd.s32 v5, v30;
	[tilespmem:v8+s12+$0x0] =	vst.idx.msk $0xffff, v19  }
0x79: {  	v59 =	vld.idx.msk [tilespmem:v24+s10+$0x0], $0xffff;
	v53 =	vand.u32 $0x400, v29;
	v16 =	vshll.u32 v55, $0x3;
	v17 =	vshll.u32 v58, $0x3;
	[tilespmem:v9+s12+$0x0] =	vst.idx.msk $0xffff, v20  }
0x7a: {  	v61 =	vld.idx.msk [tilespmem:v25+s10+$0x0], $0xffff;
	v62 =	vand.u32 $0x7F, v30;
	v15 =	vor.u32 v53, v52;
	v16 =	vand.u32 $0x400, v16;
	[tilespmem:v10+s12+$0x0] =	vst.idx.msk $0xffff, v22  }
0x7b: {  	v17 =	vand.u32 $0x400, v17;
	v15 =	vor.u32 v4, v15;
	v16 =	vor.u32 v16, v60;
	[tilespmem:v11+s12+$0x0] =	vst.idx.msk $0xffff, v23  }
0x7c: {  	s17 =	sadd.s32 $0x1, s17;
	v17 =	vor.u32 v17, v62;
	v16 =	vor.u32 v4, v16;
	v63 =	vld.idx.msk [tilespmem:v31+s10+$0x0], $0xffff;
	[tilespmem:v12+s12+$0x0] =	vst.idx.msk $0xffff, v51  }
0x7d: {  	p0 =	sne.s32 s17, $0xC;
	v4 =	vor.u32 v4, v17;
	[tilespmem:v13+s12+$0x0] =	vst.idx.msk $0xffff, v54;
	v5 =	vld.idx.msk [tilespmem:v5+s10+$0x0], $0xffff  }
.Ltmp1:
0x7e: {  	[tilespmem:v14+s12+$0x0] =	vst.idx.msk $0xffff, v57;
	(pc) =	sbr.rel @p0 .LBB2_2-.Ltmp1, $4  }
0x7f: {  	[tilespmem:v56+s12+$0x0] =	vst.idx.msk $0xffff, v59  }
0x80: {  	[tilespmem:v15+s12+$0x0] =	vst.idx.msk $0xffff, v61  }
0x81: {  	[tilespmem:v16+s12+$0x0] =	vst.idx.msk $0xffff, v63  }
0x82: {  	[tilespmem:v4+s12+$0x0] =	vst.idx.msk $0xffff, v5  }
0x83: {  	s17 =	simm.s32 $0x0;
	s19 =	simm.s32 $0xE  }
0x84: {  	s22 =	simm.s32 $0xB;
	s23 =	simm.s32 $0xA;
	s24 =	simm.s32 $0x9;
	v5 =	vmov s17;
	v6 =	vor.u32 s17, v0;
	v8 =	vxor.u32 s19, v0  }
0x85: {  	s25 =	simm.s32 $0x8;
	s26 =	simm.s32 $0x7;
	s28 =	simm.s32 $0x6;
	v9 =	vxor.u32 s22, v0;
	v10 =	vmov s23;
	v14 =	vmov s24  }
0x86: {  	v4 =	vld [tilespmem:$0xB8];
	s29 =	simm.s32 $0x5;
	s30 =	simm.s32 $0x4;
	v15 =	vxor.u32 s25, v0;
	v20 =	vmov s26;
	v25 =	vmov s28  }
0x87: {  	v27 =	vxor.u32 s29, v0;
	v32 =	vmov s30;
	v5 =	vshll.u32 v5, $0x3  }
0x88: {  	v7 =	vand.u32 $0x7F, v6;
	v10 =	vshll.u32 v10, $0x3;
	v20 =	vshll.u32 v20, $0x3  }
0x89: {  	v25 =	vshll.u32 v25, $0x3;
	v28 =	vand.u32 $0x7F, v27;
	v5 =	vand.u32 $0x400, v5  }
0x8a: {  	v10 =	vand.u32 $0x400, v10;
	v5 =	vor.u32 v7, v5;
	v7 =	vmov s19  }
0x8b: {  	s18 =	simm.s32 $0xF;
	v20 =	vand.u32 $0x400, v20;
	v4 =	vmul.u32 $0xC0, v4;
	v7 =	vshll.u32 v7, $0x3  }
0x8c: {  	v13 =	vor.u32 v3, v5;
	v5 =	vxor.u32 s18, v0;
	v7 =	vand.u32 $0x400, v7  }
0x8d: {  	v11 =	vadd.s32 v4, v6;
	v6 =	vmov s18;
	v12 =	vadd.s32 v4, v5  }
0x8e: {  	v5 =	vand.u32 $0x7F, v5;
	v16 =	vadd.s32 v4, v8;
	v6 =	vshll.u32 v6, $0x3  }
0x8f: {  	s20 =	simm.s32 $0xD;
	v19 =	vadd.s32 v4, v9;
	v30 =	vadd.s32 v4, v15;
	v6 =	vand.u32 $0x400, v6  }
0x90: {  	v5 =	vor.u32 v5, v6;
	v6 =	vand.u32 $0x7F, v8;
	v8 =	vxor.u32 s20, v0  }
0x91: {  	v21 =	vor.u32 v3, v5;
	v5 =	vmov s20;
	v6 =	vor.u32 v6, v7  }
0x92: {  	s21 =	simm.s32 $0xC;
	v7 =	vand.u32 $0x7F, v8;
	v17 =	vadd.s32 v4, v8;
	v8 =	vmov s22  }
0x93: {  	s31 =	simm.s32 $0x3;
	v5 =	vshll.u32 v5, $0x3;
	v29 =	vor.u32 v3, v6;
	v6 =	vmov s21  }
0x94: {  	v8 =	vshll.u32 v8, $0x3;
	v31 =	vld.idx.msk [tilespmem:v16+s10+$0x0], $0xffff;
	v16 =	vadd.s32 v4, v27;
	v27 =	vxor.u32 s31, v0  }
0x95: {  	v5 =	vand.u32 $0x400, v5;
	v6 =	vshll.u32 v6, $0x3;
	v8 =	vand.u32 $0x400, v8  }
0x96: {  	v5 =	vor.u32 v7, v5;
	v7 =	vxor.u32 s21, v0;
	v6 =	vand.u32 $0x400, v6  }
0x97: {  	v5 =	vor.u32 v3, v5;
	v18 =	vadd.s32 v4, v7;
	v7 =	vand.u32 $0x7F, v7  }
0x98: {  	v6 =	vor.u32 v7, v6;
	v7 =	vand.u32 $0x7F, v9;
	v9 =	vxor.u32 s23, v0  }
0x99: {  	v6 =	vor.u32 v3, v6;
	v7 =	vor.u32 v7, v8;
	v8 =	vand.u32 $0x7F, v9  }
0x9a: {  	v22 =	vadd.s32 v4, v9;
	v9 =	vxor.u32 s24, v0;
	v8 =	vor.u32 v8, v10  }
0x9b: {  	v10 =	vshll.u32 v14, $0x3;
	v24 =	vadd.s32 v4, v9;
	v14 =	vmov s25  }
0x9c: {  	v9 =	vand.u32 $0x7F, v9;
	v10 =	vand.u32 $0x400, v10;
	v14 =	vshll.u32 v14, $0x3  }
0x9d: {  	v26 =	vld.idx.msk [tilespmem:v12+s10+$0x0], $0xffff;
	v9 =	vor.u32 v9, v10;
	v10 =	vand.u32 $0x7F, v15;
	v15 =	vxor.u32 s26, v0  }
0x9e: {  	v7 =	vor.u32 v3, v7;
	v14 =	vand.u32 $0x400, v14;
	v23 =	vand.u32 $0x7F, v15  }
0x9f: {  	v10 =	vor.u32 v10, v14;
	v14 =	vadd.s32 v4, v15;
	v15 =	vor.u32 v23, v20;
	v23 =	vld.idx.msk [tilespmem:v11+s10+$0x0], $0xffff  }
0xa0: {  	v8 =	vor.u32 v3, v8;
	v9 =	vor.u32 v3, v9;
	v20 =	vxor.u32 s28, v0  }
0xa1: {  	v10 =	vor.u32 v3, v10;
	v11 =	vor.u32 v3, v15;
	v15 =	vadd.s32 v4, v20  }
0xa2: {  	[tilespmem:v21+s12+$0x0] =	vst.idx.msk $0xffff, v26;
	v12 =	vand.u32 $0x7F, v20;
	v20 =	vand.u32 $0x400, v25;
	v25 =	vmov s29;
	v21 =	vld.idx.msk [tilespmem:v24+s10+$0x0], $0xffff  }
0xa3: {  	v24 =	vadd.s32 v4, v27;
	v12 =	vor.u32 v12, v20;
	v25 =	vshll.u32 v25, $0x3;
	v20 =	vld.idx.msk [tilespmem:v17+s10+$0x0], $0xffff  }
0xa4: {  	v17 =	vld.idx.msk [tilespmem:v18+s10+$0x0], $0xffff;
	v12 =	vor.u32 v3, v12;
	v25 =	vand.u32 $0x400, v25;
	[tilespmem:v13+s12+$0x0] =	vst.idx.msk $0xffff, v23;
	v23 =	vxor.u32 s30, v0  }
0xa5: {  	v18 =	vld.idx.msk [tilespmem:v19+s10+$0x0], $0xffff;
	v25 =	vor.u32 v28, v25;
	v13 =	vshll.u32 v32, $0x3;
	v28 =	vand.u32 $0x7F, v23  }
0xa6: {  	s19 =	simm.s32 $0x2;
	v19 =	vld.idx.msk [tilespmem:v22+s10+$0x0], $0xffff;
	v32 =	vand.u32 $0x400, v13;
	v13 =	vor.u32 v3, v25;
	v23 =	vadd.s32 v4, v23  }
0xa7: {  	s17 =	simm.s32 $0x10;
	s18 =	simm.s32 $0x1;
	[tilespmem:v29+s12+$0x0] =	vst.idx.msk $0xffff, v31;
	v22 =	vld.idx.msk [tilespmem:v30+s10+$0x0], $0xffff;
	v25 =	vxor.u32 s19, v0;
	v26 =	vor.u32 v28, v32;
	v28 =	vmov s31  }
.LBB2_6:
0xa8: {  	p0 =	slt.u32 s17, $0xB0;
	v29 =	vxor.u32 s18, v0;
	v30 =	vadd.s32 v4, v25;
	v28 =	vshll.u32 v28, $0x3;
	v14 =	vld.idx.msk [tilespmem:v14+s10+$0x0], $0xffff;
	[tilespmem:v5+s12+$0x0] =	vst.idx.msk $0xffff, v20  }
0xa9: {  	v20 =	vand.u32 $0x7F, v27;
	v5 =	vadd.s32 v4, v29;
	v27 =	vand.u32 $0x400, v28;
	v15 =	vld.idx.msk [tilespmem:v15+s10+$0x0], $0xffff;
	[tilespmem:v6+s12+$0x0] =	vst.idx.msk $0xffff, v17  }
0xaa: {  	v6 =	vmov s19;
	v17 =	vor.u32 v20, v27;
	v20 =	vor.u32 v3, v26;
	v16 =	vld.idx.msk [tilespmem:v16+s10+$0x0], $0xffff;
	[tilespmem:v7+s12+$0x0] =	vst.idx.msk $0xffff, v18  }
0xab: {  	v7 =	vmov s18;
	v6 =	vshll.u32 v6, $0x3;
	v17 =	vor.u32 v3, v17;
	v18 =	vld.idx.msk [tilespmem:v23+s10+$0x0], $0xffff;
	[tilespmem:v8+s12+$0x0] =	vst.idx.msk $0xffff, v19  }
0xac: {  	v7 =	vshll.u32 v7, $0x3;
	v8 =	vand.u32 $0x7F, v25;
	v6 =	vand.u32 $0x400, v6;
	v19 =	vld.idx.msk [tilespmem:v24+s10+$0x0], $0xffff;
	[tilespmem:v9+s12+$0x0] =	vst.idx.msk $0xffff, v21  }
0xad: {  	v9 =	vand.u32 $0x7F, v29;
	v7 =	vand.u32 $0x400, v7;
	v6 =	vor.u32 v8, v6;
	v21 =	vld.idx.msk [tilespmem:v30+s10+$0x0], $0xffff;
	[tilespmem:v10+s12+$0x0] =	vst.idx.msk $0xffff, v22  }
0xae: {  	v8 =	vmov s17;
	v7 =	vor.u32 v9, v7;
	v6 =	vor.u32 v3, v6;
	v5 =	vld.idx.msk [tilespmem:v5+s10+$0x0], $0xffff;
	[tilespmem:v11+s12+$0x0] =	vst.idx.msk $0xffff, v14  }
0xaf: {  	v9 =	vor.u32 s17, v0;
	v8 =	vshll.u32 v8, $0x3;
	v7 =	vor.u32 v3, v7;
	[tilespmem:v12+s12+$0x0] =	vst.idx.msk $0xffff, v15  }
0xb0: {  	s18 =	sadd.s32 $0xF, s17;
	v10 =	vand.u32 $0x7F, v9;
	v8 =	vand.u32 $0x400, v8;
	[tilespmem:v13+s12+$0x0] =	vst.idx.msk $0xffff, v16  }
0xb1: {  	v11 =	vadd.s32 v4, v9;
	v9 =	vmov s18;
	v8 =	vor.u32 v10, v8;
	[tilespmem:v20+s12+$0x0] =	vst.idx.msk $0xffff, v18  }
0xb2: {  	v9 =	vshll.u32 v9, $0x3;
	v13 =	vor.u32 v3, v8;
	v8 =	vxor.u32 s18, v0;
	[tilespmem:v17+s12+$0x0] =	vst.idx.msk $0xffff, v19  }
0xb3: {  	s18 =	sadd.s32 $0xE, s17;
	v9 =	vand.u32 $0x400, v9;
	v12 =	vadd.s32 v4, v8;
	v8 =	vand.u32 $0x7F, v8;
	[tilespmem:v6+s12+$0x0] =	vst.idx.msk $0xffff, v21  }
0xb4: {  	v10 =	vxor.u32 s18, v0;
	v8 =	vor.u32 v8, v9;
	v6 =	vmov s18;
	[tilespmem:v7+s12+$0x0] =	vst.idx.msk $0xffff, v5  }
0xb5: {  	s18 =	sadd.s32 $0xD, s17;
	v21 =	vor.u32 v3, v8;
	v5 =	vand.u32 $0x7F, v10;
	v6 =	vshll.u32 v6, $0x3  }
0xb6: {  	v16 =	vadd.s32 v4, v10;
	v7 =	vmov s18;
	v6 =	vand.u32 $0x400, v6  }
0xb7: {  	v8 =	vxor.u32 s18, v0;
	v7 =	vshll.u32 v7, $0x3;
	v5 =	vor.u32 v5, v6  }
0xb8: {  	s18 =	sadd.s32 $0xC, s17;
	v6 =	vand.u32 $0x7F, v8;
	v7 =	vand.u32 $0x400, v7;
	v29 =	vor.u32 v3, v5  }
0xb9: {  	v17 =	vadd.s32 v4, v8;
	v5 =	vmov s18;
	v6 =	vor.u32 v6, v7  }
0xba: {  	v7 =	vxor.u32 s18, v0;
	v8 =	vshll.u32 v5, $0x3;
	v5 =	vor.u32 v3, v6  }
0xbb: {  	s18 =	sadd.s32 $0xB, s17;
	v18 =	vadd.s32 v4, v7;
	v6 =	vand.u32 $0x7F, v7;
	v7 =	vand.u32 $0x400, v8  }
0xbc: {  	v9 =	vxor.u32 s18, v0;
	v8 =	vmov s18;
	v6 =	vor.u32 v6, v7  }
0xbd: {  	s18 =	sadd.s32 $0xA, s17;
	v7 =	vand.u32 $0x7F, v9;
	v8 =	vshll.u32 v8, $0x3;
	v6 =	vor.u32 v3, v6  }
0xbe: {  	v19 =	vadd.s32 v4, v9;
	v10 =	vmov s18;
	v8 =	vand.u32 $0x400, v8  }
0xbf: {  	v9 =	vxor.u32 s18, v0;
	v10 =	vshll.u32 v10, $0x3;
	v7 =	vor.u32 v7, v8  }
0xc0: {  	s18 =	sadd.s32 $0x9, s17;
	v8 =	vand.u32 $0x7F, v9;
	v10 =	vand.u32 $0x400, v10;
	v7 =	vor.u32 v3, v7  }
0xc1: {  	v14 =	vmov s18;
	v22 =	vadd.s32 v4, v9;
	v8 =	vor.u32 v8, v10  }
0xc2: {  	v9 =	vxor.u32 s18, v0;
	v10 =	vshll.u32 v14, $0x3;
	v8 =	vor.u32 v3, v8  }
0xc3: {  	s18 =	sadd.s32 $0x8, s17;
	v24 =	vadd.s32 v4, v9;
	v9 =	vand.u32 $0x7F, v9;
	v10 =	vand.u32 $0x400, v10  }
0xc4: {  	v14 =	vmov s18;
	v15 =	vxor.u32 s18, v0;
	v9 =	vor.u32 v9, v10  }
0xc5: {  	s18 =	sadd.s32 $0x7, s17;
	v14 =	vshll.u32 v14, $0x3;
	v10 =	vand.u32 $0x7F, v15;
	v9 =	vor.u32 v3, v9  }
0xc6: {  	v20 =	vmov s18;
	v30 =	vadd.s32 v4, v15;
	v14 =	vand.u32 $0x400, v14  }
0xc7: {  	v15 =	vxor.u32 s18, v0;
	v20 =	vshll.u32 v20, $0x3;
	v10 =	vor.u32 v10, v14  }
0xc8: {  	s18 =	sadd.s32 $0x6, s17;
	v23 =	vand.u32 $0x7F, v15;
	v20 =	vand.u32 $0x400, v20;
	v10 =	vor.u32 v3, v10  }
0xc9: {  	v14 =	vadd.s32 v4, v15;
	v15 =	vor.u32 v23, v20;
	v25 =	vld.idx.msk [tilespmem:v11+s10+$0x0], $0xffff;
	v11 =	vmov s18  }
0xca: {  	v20 =	vxor.u32 s18, v0;
	v23 =	vshll.u32 v11, $0x3;
	v11 =	vor.u32 v3, v15;
	v26 =	vld.idx.msk [tilespmem:v12+s10+$0x0], $0xffff  }
0xcb: {  	s18 =	sadd.s32 $0x5, s17;
	v15 =	vadd.s32 v4, v20;
	v12 =	vand.u32 $0x7F, v20;
	v20 =	vand.u32 $0x400, v23  }
0xcc: {  	v27 =	vxor.u32 s18, v0;
	v23 =	vmov s18;
	v12 =	vor.u32 v12, v20;
	v31 =	vld.idx.msk [tilespmem:v16+s10+$0x0], $0xffff  }
0xcd: {  	s18 =	sadd.s32 $0x4, s17;
	v28 =	vand.u32 $0x7F, v27;
	v23 =	vshll.u32 v23, $0x3;
	v12 =	vor.u32 v3, v12;
	v20 =	vld.idx.msk [tilespmem:v17+s10+$0x0], $0xffff  }
.Ltmp2:
0xce: {  	v32 =	vmov s18;
	v16 =	vadd.s32 v4, v27;
	v23 =	vand.u32 $0x400, v23;
	v17 =	vld.idx.msk [tilespmem:v18+s10+$0x0], $0xffff;
	(pc) =	sbr.rel @p0 .LBB2_6-.Ltmp2, $4  }
0xcf: {  	v23 =	vor.u32 v28, v23;
	[tilespmem:v13+s12+$0x0] =	vst.idx.msk $0xffff, v25;
	v25 =	vxor.u32 s18, v0;
	v13 =	vshll.u32 v32, $0x3;
	v18 =	vld.idx.msk [tilespmem:v19+s10+$0x0], $0xffff  }
0xd0: {  	s20 =	sadd.s32 $0x3, s17;
	v28 =	vand.u32 $0x7F, v25;
	v32 =	vand.u32 $0x400, v13;
	v13 =	vor.u32 v3, v23;
	v19 =	vld.idx.msk [tilespmem:v22+s10+$0x0], $0xffff;
	[tilespmem:v21+s12+$0x0] =	vst.idx.msk $0xffff, v26  }
0xd1: {  	s19 =	sadd.s32 $0x2, s17;
	v27 =	vxor.u32 s20, v0;
	v23 =	vadd.s32 v4, v25;
	v26 =	vor.u32 v28, v32;
	v21 =	vld.idx.msk [tilespmem:v24+s10+$0x0], $0xffff  }
0xd2: {  	s18 =	sadd.s32 $0x1, s17;
	s17 =	sadd.s32 $0x10, s17;
	v25 =	vxor.u32 s19, v0;
	v28 =	vmov s20;
	v24 =	vadd.s32 v4, v27;
	v22 =	vld.idx.msk [tilespmem:v30+s10+$0x0], $0xffff;
	[tilespmem:v29+s12+$0x0] =	vst.idx.msk $0xffff, v31  }
0xd3: {  	_ =	sdelay $0x3  }
0xd4: {  	v29 =	vxor.u32 s18, v0;
	v30 =	vadd.s32 v4, v25;
	v28 =	vshll.u32 v28, $0x3;
	[tilespmem:v5+s12+$0x0] =	vst.idx.msk $0xffff, v20;
	v5 =	vld.idx.msk [tilespmem:v14+s10+$0x0], $0xffff  }
0xd5: {  	v52 =	vand.u32 $0x7F, v27;
	[tilespmem:v6+s12+$0x0] =	vst.idx.msk $0xffff, v17;
	v54 =	vld.idx.msk [tilespmem:v15+s10+$0x0], $0xffff;
	v55 =	vmov s19;
	v56 =	vor.u32 v3, v26  }
0xd6: {  	v57 =	vld.idx.msk [tilespmem:v16+s10+$0x0], $0xffff;
	v58 =	vmov s18;
	v60 =	vand.u32 $0x7F, v25;
	v4 =	vadd.s32 v4, v29;
	[tilespmem:v7+s12+$0x0] =	vst.idx.msk $0xffff, v18  }
0xd7: {  	v59 =	vld.idx.msk [tilespmem:v23+s10+$0x0], $0xffff;
	v53 =	vand.u32 $0x400, v28;
	v15 =	vshll.u32 v55, $0x3;
	v16 =	vshll.u32 v58, $0x3;
	[tilespmem:v8+s12+$0x0] =	vst.idx.msk $0xffff, v19  }
0xd8: {  	v61 =	vld.idx.msk [tilespmem:v24+s10+$0x0], $0xffff;
	v62 =	vand.u32 $0x7F, v29;
	v14 =	vor.u32 v52, v53;
	v15 =	vand.u32 $0x400, v15;
	[tilespmem:v9+s12+$0x0] =	vst.idx.msk $0xffff, v21  }
0xd9: {  	v16 =	vand.u32 $0x400, v16;
	v14 =	vor.u32 v3, v14;
	v15 =	vor.u32 v60, v15;
	[tilespmem:v10+s12+$0x0] =	vst.idx.msk $0xffff, v22  }
0xda: {  	v16 =	vor.u32 v62, v16;
	v15 =	vor.u32 v3, v15;
	v63 =	vld.idx.msk [tilespmem:v30+s10+$0x0], $0xffff;
	[tilespmem:v11+s12+$0x0] =	vst.idx.msk $0xffff, v5  }
0xdb: {  	v5 =	vor.u32 v3, v16;
	[tilespmem:v12+s12+$0x0] =	vst.idx.msk $0xffff, v54;
	v4 =	vld.idx.msk [tilespmem:v4+s10+$0x0], $0xffff  }
0xdc: {  	[tilespmem:v13+s12+$0x0] =	vst.idx.msk $0xffff, v57  }
0xdd: {  	[tilespmem:v56+s12+$0x0] =	vst.idx.msk $0xffff, v59  }
0xde: {  	[tilespmem:v14+s12+$0x0] =	vst.idx.msk $0xffff, v61  }
0xdf: {  	[tilespmem:v15+s12+$0x0] =	vst.idx.msk $0xffff, v63  }
0xe0: {  	s17 =	simm.s32 $0x0;
	s18 =	simm.s32 $0x0;
	[tilespmem:v5+s12+$0x0] =	vst.idx.msk $0xffff, v4  }
0xe1: {  	[hbm4b:s7+s17] =	stream.linear.scatter [tilespmem:s12], [sflag:$0x1], $0xE000, $0x38;
	[tilespmem:$0x1EB00] =	vst v63  }
.LBB2_8:
0xe2: {  	s19 =	sshll.u32 s18, $0x4  }
0xe3: {  	v4 =	vmov s19  }
0xe4: {  	v4 =	vbroadcast v4, $0x0;
	_ =	sdelay $0x1  }
0xe5: {  	v5 =	vor.u32 v0, v4  }
0xe6: {  	v6 =	vmulhi.u32 $0x51EB851F, v5;
	_ =	sdelay $0x1  }
0xe7: {  	v6 =	vshrl.u32 v6, $0x4  }
0xe8: {  	v7 =	vmul.u32 $0xFFFFFFCE, v6  }
0xe9: {  	v8 =	vsub.s32 v1, v4  }
0xea: {  	s31 =	simm.s32 $0xE;
	s22 =	simm.s32 $0xB;
	vm0 =	veq.s32 v4, v0;
	vm1 =	vne.s32 v7, v8  }
0xeb: {  	s23 =	simm.s32 $0xA;
	s24 =	simm.s32 $0x9;
	v9 =	vxor.u32 s31, v0;
	v10 =	vxor.u32 s22, v0;
	vm0 =	vmand vm0, vm1  }
0xec: {  	s25 =	simm.s32 $0x8;
	s26 =	simm.s32 $0x7;
	v11 =	vmov s23;
	v15 =	vmov s24;
	v7 =	vld [tilespmem:s19+$0xC8];
	v4 =	vsel vm0, $0xFFFFFFFF, v2  }
0xed: {  	s28 =	simm.s32 $0x6;
	s29 =	simm.s32 $0x5;
	v16 =	vxor.u32 s25, v0;
	v21 =	vmov s26;
	v4 =	vadd.s32 v4, v6  }
0xee: {  	v26 =	vmov s28;
	v28 =	vxor.u32 s29, v0;
	v6 =	vmul.u32 $0xFFFFFFCE, v4  }
0xef: {  	v11 =	vshll.u32 v11, $0x3;
	v21 =	vshll.u32 v21, $0x3;
	v26 =	vshll.u32 v26, $0x3  }
0xf0: {  	v29 =	vand.u32 $0x7F, v28;
	v11 =	vand.u32 $0x400, v11;
	v6 =	vadd.s32 v5, v6  }
0xf1: {  	v21 =	vand.u32 $0x400, v21;
	v5 =	vmul.u32 $0xC0, v7;
	v8 =	vshll.u32 v6, $0x8  }
0xf2: {  	v4 =	vmul.u32 $0x3800, v4;
	v6 =	vshll.u32 v6, $0x7;
	v7 =	vand.u32 $0xFFFFF800, v8  }
0xf3: {  	v6 =	vand.u32 $0x380, v6;
	v8 =	vor.u32 s17, v0;
	v17 =	vadd.s32 v5, v9  }
0xf4: {  	v20 =	vadd.s32 v5, v10;
	v4 =	vadd.s32 v4, v7;
	v7 =	vmov s17  }
0xf5: {  	v12 =	vadd.s32 v5, v8;
	v7 =	vshll.u32 v7, $0x3;
	v4 =	vor.u32 v4, v6  }
0xf6: {  	v6 =	vand.u32 $0x7F, v8;
	v8 =	vmov s31;
	v7 =	vand.u32 $0x400, v7  }
0xf7: {  	s30 =	simm.s32 $0xF;
	v31 =	vadd.s32 v5, v16;
	v8 =	vshll.u32 v8, $0x3;
	v6 =	vor.u32 v7, v6  }
0xf8: {  	v7 =	vmov s30;
	v8 =	vand.u32 $0x400, v8;
	v14 =	vor.u32 v4, v6  }
0xf9: {  	v6 =	vxor.u32 s30, v0;
	v7 =	vshll.u32 v7, $0x3;
	v32 =	vld.idx.msk [tilespmem:v17+s10+$0x0], $0xffff;
	v17 =	vadd.s32 v5, v28  }
0xfa: {  	s31 =	simm.s32 $0x3;
	s30 =	simm.s32 $0x4;
	v13 =	vadd.s32 v5, v6;
	v6 =	vand.u32 $0x7F, v6;
	v7 =	vand.u32 $0x400, v7  }
0xfb: {  	s20 =	simm.s32 $0xD;
	v28 =	vxor.u32 s31, v0;
	v33 =	vmov s30;
	v6 =	vor.u32 v7, v6  }
0xfc: {  	v7 =	vand.u32 $0x7F, v9;
	v9 =	vxor.u32 s20, v0;
	v22 =	vor.u32 v4, v6  }
0xfd: {  	v6 =	vmov s20;
	v7 =	vor.u32 v8, v7;
	v8 =	vand.u32 $0x7F, v9  }
0xfe: {  	s21 =	simm.s32 $0xC;
	v18 =	vadd.s32 v5, v9;
	v9 =	vmov s22;
	v6 =	vshll.u32 v6, $0x3  }
0xff: {  	v30 =	vor.u32 v4, v7;
	v7 =	vmov s21;
	v9 =	vshll.u32 v9, $0x3  }
0x100: {  	v6 =	vand.u32 $0x400, v6;
	v7 =	vshll.u32 v7, $0x3;
	v9 =	vand.u32 $0x400, v9  }
0x101: {  	v6 =	vor.u32 v6, v8;
	v8 =	vxor.u32 s21, v0;
	v7 =	vand.u32 $0x400, v7  }
0x102: {  	v6 =	vor.u32 v4, v6;
	v19 =	vadd.s32 v5, v8;
	v8 =	vand.u32 $0x7F, v8  }
0x103: {  	v7 =	vor.u32 v7, v8;
	v8 =	vand.u32 $0x7F, v10;
	v10 =	vxor.u32 s23, v0  }
0x104: {  	v7 =	vor.u32 v4, v7;
	v8 =	vor.u32 v9, v8;
	v9 =	vand.u32 $0x7F, v10  }
0x105: {  	v23 =	vadd.s32 v5, v10;
	v10 =	vxor.u32 s24, v0;
	v9 =	vor.u32 v11, v9  }
0x106: {  	v11 =	vshll.u32 v15, $0x3;
	v25 =	vadd.s32 v5, v10;
	v15 =	vmov s25  }
0x107: {  	v10 =	vand.u32 $0x7F, v10;
	v11 =	vand.u32 $0x400, v11;
	v15 =	vshll.u32 v15, $0x3  }
0x108: {  	v27 =	vld.idx.msk [tilespmem:v13+s10+$0x0], $0xffff;
	v10 =	vor.u32 v11, v10;
	v11 =	vand.u32 $0x7F, v16;
	v16 =	vxor.u32 s26, v0  }
0x109: {  	v8 =	vor.u32 v4, v8;
	v15 =	vand.u32 $0x400, v15;
	v24 =	vand.u32 $0x7F, v16  }
0x10a: {  	v11 =	vor.u32 v15, v11;
	v15 =	vadd.s32 v5, v16;
	v16 =	vor.u32 v21, v24;
	v24 =	vld.idx.msk [tilespmem:v12+s10+$0x0], $0xffff  }
0x10b: {  	v9 =	vor.u32 v4, v9;
	v10 =	vor.u32 v4, v10;
	v21 =	vxor.u32 s28, v0  }
0x10c: {  	v11 =	vor.u32 v4, v11;
	v12 =	vor.u32 v4, v16;
	v16 =	vadd.s32 v5, v21  }
0x10d: {  	[tilespmem:v22+s13+$0x0] =	vst.idx.msk $0xffff, v27;
	v13 =	vand.u32 $0x7F, v21;
	v21 =	vand.u32 $0x400, v26;
	v26 =	vmov s29;
	v22 =	vld.idx.msk [tilespmem:v25+s10+$0x0], $0xffff  }
0x10e: {  	v25 =	vadd.s32 v5, v28;
	v13 =	vor.u32 v21, v13;
	v26 =	vshll.u32 v26, $0x3;
	v21 =	vld.idx.msk [tilespmem:v18+s10+$0x0], $0xffff  }
0x10f: {  	v18 =	vld.idx.msk [tilespmem:v19+s10+$0x0], $0xffff;
	v13 =	vor.u32 v4, v13;
	v26 =	vand.u32 $0x400, v26;
	[tilespmem:v14+s13+$0x0] =	vst.idx.msk $0xffff, v24;
	v24 =	vxor.u32 s30, v0  }
0x110: {  	v19 =	vld.idx.msk [tilespmem:v20+s10+$0x0], $0xffff;
	v26 =	vor.u32 v26, v29;
	v14 =	vshll.u32 v33, $0x3;
	v29 =	vand.u32 $0x7F, v24  }
0x111: {  	s21 =	simm.s32 $0x2;
	v20 =	vld.idx.msk [tilespmem:v23+s10+$0x0], $0xffff;
	v33 =	vand.u32 $0x400, v14;
	v14 =	vor.u32 v4, v26;
	v24 =	vadd.s32 v5, v24  }
0x112: {  	s19 =	simm.s32 $0x10;
	s20 =	simm.s32 $0x1;
	[tilespmem:v30+s13+$0x0] =	vst.idx.msk $0xffff, v32;
	v23 =	vld.idx.msk [tilespmem:v31+s10+$0x0], $0xffff;
	v26 =	vxor.u32 s21, v0;
	v27 =	vor.u32 v33, v29;
	v29 =	vmov s31  }
.LBB2_9:
0x113: {  	p0 =	slt.u32 s19, $0xB0;
	v30 =	vxor.u32 s20, v0;
	v31 =	vadd.s32 v5, v26;
	v29 =	vshll.u32 v29, $0x3;
	v15 =	vld.idx.msk [tilespmem:v15+s10+$0x0], $0xffff;
	[tilespmem:v6+s13+$0x0] =	vst.idx.msk $0xffff, v21  }
0x114: {  	v21 =	vand.u32 $0x7F, v28;
	v6 =	vadd.s32 v5, v30;
	v28 =	vand.u32 $0x400, v29;
	v16 =	vld.idx.msk [tilespmem:v16+s10+$0x0], $0xffff;
	[tilespmem:v7+s13+$0x0] =	vst.idx.msk $0xffff, v18  }
0x115: {  	v7 =	vmov s21;
	v18 =	vor.u32 v28, v21;
	v21 =	vor.u32 v4, v27;
	v17 =	vld.idx.msk [tilespmem:v17+s10+$0x0], $0xffff;
	[tilespmem:v8+s13+$0x0] =	vst.idx.msk $0xffff, v19  }
0x116: {  	v8 =	vmov s20;
	v7 =	vshll.u32 v7, $0x3;
	v18 =	vor.u32 v4, v18;
	v19 =	vld.idx.msk [tilespmem:v24+s10+$0x0], $0xffff;
	[tilespmem:v9+s13+$0x0] =	vst.idx.msk $0xffff, v20  }
0x117: {  	v8 =	vshll.u32 v8, $0x3;
	v9 =	vand.u32 $0x7F, v26;
	v7 =	vand.u32 $0x400, v7;
	v20 =	vld.idx.msk [tilespmem:v25+s10+$0x0], $0xffff;
	[tilespmem:v10+s13+$0x0] =	vst.idx.msk $0xffff, v22  }
0x118: {  	v10 =	vand.u32 $0x7F, v30;
	v8 =	vand.u32 $0x400, v8;
	v7 =	vor.u32 v7, v9;
	v22 =	vld.idx.msk [tilespmem:v31+s10+$0x0], $0xffff;
	[tilespmem:v11+s13+$0x0] =	vst.idx.msk $0xffff, v23  }
0x119: {  	v9 =	vmov s19;
	v8 =	vor.u32 v8, v10;
	v7 =	vor.u32 v4, v7;
	v6 =	vld.idx.msk [tilespmem:v6+s10+$0x0], $0xffff;
	[tilespmem:v12+s13+$0x0] =	vst.idx.msk $0xffff, v15  }
0x11a: {  	v10 =	vor.u32 s19, v0;
	v9 =	vshll.u32 v9, $0x3;
	v8 =	vor.u32 v4, v8;
	[tilespmem:v13+s13+$0x0] =	vst.idx.msk $0xffff, v16  }
0x11b: {  	s20 =	sadd.s32 $0xF, s19;
	v11 =	vand.u32 $0x7F, v10;
	v9 =	vand.u32 $0x400, v9;
	[tilespmem:v14+s13+$0x0] =	vst.idx.msk $0xffff, v17  }
0x11c: {  	v12 =	vadd.s32 v5, v10;
	v10 =	vmov s20;
	v9 =	vor.u32 v9, v11;
	[tilespmem:v21+s13+$0x0] =	vst.idx.msk $0xffff, v19  }
0x11d: {  	v10 =	vshll.u32 v10, $0x3;
	v14 =	vor.u32 v4, v9;
	v9 =	vxor.u32 s20, v0;
	[tilespmem:v18+s13+$0x0] =	vst.idx.msk $0xffff, v20  }
0x11e: {  	s20 =	sadd.s32 $0xE, s19;
	v10 =	vand.u32 $0x400, v10;
	v13 =	vadd.s32 v5, v9;
	v9 =	vand.u32 $0x7F, v9;
	[tilespmem:v7+s13+$0x0] =	vst.idx.msk $0xffff, v22  }
0x11f: {  	v11 =	vxor.u32 s20, v0;
	v9 =	vor.u32 v10, v9;
	v7 =	vmov s20;
	[tilespmem:v8+s13+$0x0] =	vst.idx.msk $0xffff, v6  }
0x120: {  	s20 =	sadd.s32 $0xD, s19;
	v22 =	vor.u32 v4, v9;
	v6 =	vand.u32 $0x7F, v11;
	v7 =	vshll.u32 v7, $0x3  }
0x121: {  	v17 =	vadd.s32 v5, v11;
	v8 =	vmov s20;
	v7 =	vand.u32 $0x400, v7  }
0x122: {  	v9 =	vxor.u32 s20, v0;
	v8 =	vshll.u32 v8, $0x3;
	v6 =	vor.u32 v7, v6  }
0x123: {  	s20 =	sadd.s32 $0xC, s19;
	v7 =	vand.u32 $0x7F, v9;
	v8 =	vand.u32 $0x400, v8;
	v30 =	vor.u32 v4, v6  }
0x124: {  	v18 =	vadd.s32 v5, v9;
	v6 =	vmov s20;
	v7 =	vor.u32 v8, v7  }
0x125: {  	v8 =	vxor.u32 s20, v0;
	v9 =	vshll.u32 v6, $0x3;
	v6 =	vor.u32 v4, v7  }
0x126: {  	s20 =	sadd.s32 $0xB, s19;
	v19 =	vadd.s32 v5, v8;
	v7 =	vand.u32 $0x7F, v8;
	v8 =	vand.u32 $0x400, v9  }
0x127: {  	v10 =	vxor.u32 s20, v0;
	v9 =	vmov s20;
	v7 =	vor.u32 v8, v7  }
0x128: {  	s20 =	sadd.s32 $0xA, s19;
	v8 =	vand.u32 $0x7F, v10;
	v9 =	vshll.u32 v9, $0x3;
	v7 =	vor.u32 v4, v7  }
0x129: {  	v20 =	vadd.s32 v5, v10;
	v11 =	vmov s20;
	v9 =	vand.u32 $0x400, v9  }
0x12a: {  	v10 =	vxor.u32 s20, v0;
	v11 =	vshll.u32 v11, $0x3;
	v8 =	vor.u32 v9, v8  }
0x12b: {  	s20 =	sadd.s32 $0x9, s19;
	v9 =	vand.u32 $0x7F, v10;
	v11 =	vand.u32 $0x400, v11;
	v8 =	vor.u32 v4, v8  }
0x12c: {  	v15 =	vmov s20;
	v23 =	vadd.s32 v5, v10;
	v9 =	vor.u32 v11, v9  }
0x12d: {  	v10 =	vxor.u32 s20, v0;
	v11 =	vshll.u32 v15, $0x3;
	v9 =	vor.u32 v4, v9  }
0x12e: {  	s20 =	sadd.s32 $0x8, s19;
	v25 =	vadd.s32 v5, v10;
	v10 =	vand.u32 $0x7F, v10;
	v11 =	vand.u32 $0x400, v11  }
0x12f: {  	v15 =	vmov s20;
	v16 =	vxor.u32 s20, v0;
	v10 =	vor.u32 v11, v10  }
0x130: {  	s20 =	sadd.s32 $0x7, s19;
	v15 =	vshll.u32 v15, $0x3;
	v11 =	vand.u32 $0x7F, v16;
	v10 =	vor.u32 v4, v10  }
0x131: {  	v21 =	vmov s20;
	v31 =	vadd.s32 v5, v16;
	v15 =	vand.u32 $0x400, v15  }
0x132: {  	v16 =	vxor.u32 s20, v0;
	v21 =	vshll.u32 v21, $0x3;
	v11 =	vor.u32 v15, v11  }
0x133: {  	s20 =	sadd.s32 $0x6, s19;
	v24 =	vand.u32 $0x7F, v16;
	v21 =	vand.u32 $0x400, v21;
	v11 =	vor.u32 v4, v11  }
0x134: {  	v15 =	vadd.s32 v5, v16;
	v16 =	vor.u32 v21, v24;
	v26 =	vld.idx.msk [tilespmem:v12+s10+$0x0], $0xffff;
	v12 =	vmov s20  }
0x135: {  	v21 =	vxor.u32 s20, v0;
	v24 =	vshll.u32 v12, $0x3;
	v12 =	vor.u32 v4, v16;
	v27 =	vld.idx.msk [tilespmem:v13+s10+$0x0], $0xffff  }
0x136: {  	s20 =	sadd.s32 $0x5, s19;
	v16 =	vadd.s32 v5, v21;
	v13 =	vand.u32 $0x7F, v21;
	v21 =	vand.u32 $0x400, v24  }
0x137: {  	v28 =	vxor.u32 s20, v0;
	v24 =	vmov s20;
	v13 =	vor.u32 v21, v13;
	v32 =	vld.idx.msk [tilespmem:v17+s10+$0x0], $0xffff  }
0x138: {  	s20 =	sadd.s32 $0x4, s19;
	v29 =	vand.u32 $0x7F, v28;
	v24 =	vshll.u32 v24, $0x3;
	v13 =	vor.u32 v4, v13;
	v21 =	vld.idx.msk [tilespmem:v18+s10+$0x0], $0xffff  }
.Ltmp3:
0x139: {  	v33 =	vmov s20;
	v17 =	vadd.s32 v5, v28;
	v24 =	vand.u32 $0x400, v24;
	v18 =	vld.idx.msk [tilespmem:v19+s10+$0x0], $0xffff;
	(pc) =	sbr.rel @p0 .LBB2_9-.Ltmp3, $4  }
0x13a: {  	v24 =	vor.u32 v24, v29;
	[tilespmem:v14+s13+$0x0] =	vst.idx.msk $0xffff, v26;
	v26 =	vxor.u32 s20, v0;
	v14 =	vshll.u32 v33, $0x3;
	v19 =	vld.idx.msk [tilespmem:v20+s10+$0x0], $0xffff  }
0x13b: {  	s22 =	sadd.s32 $0x3, s19;
	v29 =	vand.u32 $0x7F, v26;
	v33 =	vand.u32 $0x400, v14;
	v14 =	vor.u32 v4, v24;
	v20 =	vld.idx.msk [tilespmem:v23+s10+$0x0], $0xffff;
	[tilespmem:v22+s13+$0x0] =	vst.idx.msk $0xffff, v27  }
0x13c: {  	s21 =	sadd.s32 $0x2, s19;
	v28 =	vxor.u32 s22, v0;
	v24 =	vadd.s32 v5, v26;
	v27 =	vor.u32 v33, v29;
	v22 =	vld.idx.msk [tilespmem:v25+s10+$0x0], $0xffff  }
0x13d: {  	s20 =	sadd.s32 $0x1, s19;
	s19 =	sadd.s32 $0x10, s19;
	v26 =	vxor.u32 s21, v0;
	v29 =	vmov s22;
	v25 =	vadd.s32 v5, v28;
	v23 =	vld.idx.msk [tilespmem:v31+s10+$0x0], $0xffff;
	[tilespmem:v30+s13+$0x0] =	vst.idx.msk $0xffff, v32  }
0x13e: {  	_ =	sdelay $0x3  }
0x13f: {  	v30 =	vxor.u32 s20, v0;
	v31 =	vadd.s32 v5, v26;
	v29 =	vshll.u32 v29, $0x3;
	[tilespmem:v6+s13+$0x0] =	vst.idx.msk $0xffff, v21;
	v51 =	vld.idx.msk [tilespmem:v15+s10+$0x0], $0xffff  }
0x140: {  	v52 =	vand.u32 $0x7F, v28;
	[tilespmem:v7+s13+$0x0] =	vst.idx.msk $0xffff, v18;
	v54 =	vld.idx.msk [tilespmem:v16+s10+$0x0], $0xffff;
	v55 =	vmov s21;
	v56 =	vor.u32 v4, v27  }
0x141: {  	v57 =	vld.idx.msk [tilespmem:v17+s10+$0x0], $0xffff;
	v58 =	vmov s20;
	v60 =	vand.u32 $0x7F, v26;
	v5 =	vadd.s32 v5, v30;
	[tilespmem:v8+s13+$0x0] =	vst.idx.msk $0xffff, v19  }
0x142: {  	v59 =	vld.idx.msk [tilespmem:v24+s10+$0x0], $0xffff;
	v53 =	vand.u32 $0x400, v29;
	v16 =	vshll.u32 v55, $0x3;
	v17 =	vshll.u32 v58, $0x3;
	[tilespmem:v9+s13+$0x0] =	vst.idx.msk $0xffff, v20  }
0x143: {  	v61 =	vld.idx.msk [tilespmem:v25+s10+$0x0], $0xffff;
	v62 =	vand.u32 $0x7F, v30;
	v15 =	vor.u32 v53, v52;
	v16 =	vand.u32 $0x400, v16;
	[tilespmem:v10+s13+$0x0] =	vst.idx.msk $0xffff, v22  }
0x144: {  	v17 =	vand.u32 $0x400, v17;
	v15 =	vor.u32 v4, v15;
	v16 =	vor.u32 v16, v60;
	[tilespmem:v11+s13+$0x0] =	vst.idx.msk $0xffff, v23  }
0x145: {  	s18 =	sadd.s32 $0x1, s18;
	v17 =	vor.u32 v17, v62;
	v16 =	vor.u32 v4, v16;
	v63 =	vld.idx.msk [tilespmem:v31+s10+$0x0], $0xffff;
	[tilespmem:v12+s13+$0x0] =	vst.idx.msk $0xffff, v51  }
0x146: {  	p0 =	sne.s32 s18, $0xC;
	v4 =	vor.u32 v4, v17;
	[tilespmem:v13+s13+$0x0] =	vst.idx.msk $0xffff, v54;
	v5 =	vld.idx.msk [tilespmem:v5+s10+$0x0], $0xffff  }
.Ltmp4:
0x147: {  	[tilespmem:v14+s13+$0x0] =	vst.idx.msk $0xffff, v57;
	(pc) =	sbr.rel @p0 .LBB2_8-.Ltmp4, $4  }
0x148: {  	[tilespmem:v56+s13+$0x0] =	vst.idx.msk $0xffff, v59  }
0x149: {  	[tilespmem:v15+s13+$0x0] =	vst.idx.msk $0xffff, v61  }
0x14a: {  	[tilespmem:v16+s13+$0x0] =	vst.idx.msk $0xffff, v63  }
0x14b: {  	[tilespmem:v4+s13+$0x0] =	vst.idx.msk $0xffff, v5  }
0x14c: {  	s17 =	simm.s32 $0x0;
	s19 =	simm.s32 $0xE  }
0x14d: {  	s22 =	simm.s32 $0xB;
	s23 =	simm.s32 $0xA;
	s24 =	simm.s32 $0x9;
	v5 =	vmov s17;
	v6 =	vor.u32 s17, v0;
	v8 =	vxor.u32 s19, v0  }
0x14e: {  	s25 =	simm.s32 $0x8;
	s26 =	simm.s32 $0x7;
	s28 =	simm.s32 $0x6;
	v9 =	vxor.u32 s22, v0;
	v10 =	vmov s23;
	v14 =	vmov s24  }
0x14f: {  	v4 =	vld [tilespmem:$0x180];
	s29 =	simm.s32 $0x5;
	s30 =	simm.s32 $0x4;
	v15 =	vxor.u32 s25, v0;
	v20 =	vmov s26;
	v25 =	vmov s28  }
0x150: {  	v27 =	vxor.u32 s29, v0;
	v32 =	vmov s30;
	v5 =	vshll.u32 v5, $0x3  }
0x151: {  	v7 =	vand.u32 $0x7F, v6;
	v10 =	vshll.u32 v10, $0x3;
	v20 =	vshll.u32 v20, $0x3  }
0x152: {  	v25 =	vshll.u32 v25, $0x3;
	v28 =	vand.u32 $0x7F, v27;
	v5 =	vand.u32 $0x400, v5  }
0x153: {  	v10 =	vand.u32 $0x400, v10;
	v5 =	vor.u32 v7, v5;
	v7 =	vmov s19  }
0x154: {  	s18 =	simm.s32 $0xF;
	v20 =	vand.u32 $0x400, v20;
	v4 =	vmul.u32 $0xC0, v4;
	v7 =	vshll.u32 v7, $0x3  }
0x155: {  	v13 =	vor.u32 v3, v5;
	v5 =	vxor.u32 s18, v0;
	v7 =	vand.u32 $0x400, v7  }
0x156: {  	v11 =	vadd.s32 v4, v6;
	v6 =	vmov s18;
	v12 =	vadd.s32 v4, v5  }
0x157: {  	v5 =	vand.u32 $0x7F, v5;
	v16 =	vadd.s32 v4, v8;
	v6 =	vshll.u32 v6, $0x3  }
0x158: {  	s20 =	simm.s32 $0xD;
	v19 =	vadd.s32 v4, v9;
	v30 =	vadd.s32 v4, v15;
	v6 =	vand.u32 $0x400, v6  }
0x159: {  	v5 =	vor.u32 v5, v6;
	v6 =	vand.u32 $0x7F, v8;
	v8 =	vxor.u32 s20, v0  }
0x15a: {  	v21 =	vor.u32 v3, v5;
	v5 =	vmov s20;
	v6 =	vor.u32 v6, v7  }
0x15b: {  	s21 =	simm.s32 $0xC;
	v7 =	vand.u32 $0x7F, v8;
	v17 =	vadd.s32 v4, v8;
	v8 =	vmov s22  }
0x15c: {  	s31 =	simm.s32 $0x3;
	v5 =	vshll.u32 v5, $0x3;
	v29 =	vor.u32 v3, v6;
	v6 =	vmov s21  }
0x15d: {  	v8 =	vshll.u32 v8, $0x3;
	v31 =	vld.idx.msk [tilespmem:v16+s10+$0x0], $0xffff;
	v16 =	vadd.s32 v4, v27;
	v27 =	vxor.u32 s31, v0  }
0x15e: {  	v5 =	vand.u32 $0x400, v5;
	v6 =	vshll.u32 v6, $0x3;
	v8 =	vand.u32 $0x400, v8  }
0x15f: {  	v5 =	vor.u32 v7, v5;
	v7 =	vxor.u32 s21, v0;
	v6 =	vand.u32 $0x400, v6  }
0x160: {  	v5 =	vor.u32 v3, v5;
	v18 =	vadd.s32 v4, v7;
	v7 =	vand.u32 $0x7F, v7  }
0x161: {  	v6 =	vor.u32 v7, v6;
	v7 =	vand.u32 $0x7F, v9;
	v9 =	vxor.u32 s23, v0  }
0x162: {  	v6 =	vor.u32 v3, v6;
	v7 =	vor.u32 v7, v8;
	v8 =	vand.u32 $0x7F, v9  }
0x163: {  	v22 =	vadd.s32 v4, v9;
	v9 =	vxor.u32 s24, v0;
	v8 =	vor.u32 v8, v10  }
0x164: {  	v10 =	vshll.u32 v14, $0x3;
	v24 =	vadd.s32 v4, v9;
	v14 =	vmov s25  }
0x165: {  	v9 =	vand.u32 $0x7F, v9;
	v10 =	vand.u32 $0x400, v10;
	v14 =	vshll.u32 v14, $0x3  }
0x166: {  	v26 =	vld.idx.msk [tilespmem:v12+s10+$0x0], $0xffff;
	v9 =	vor.u32 v9, v10;
	v10 =	vand.u32 $0x7F, v15;
	v15 =	vxor.u32 s26, v0  }
0x167: {  	v7 =	vor.u32 v3, v7;
	v14 =	vand.u32 $0x400, v14;
	v23 =	vand.u32 $0x7F, v15  }
0x168: {  	v10 =	vor.u32 v10, v14;
	v14 =	vadd.s32 v4, v15;
	v15 =	vor.u32 v23, v20;
	v23 =	vld.idx.msk [tilespmem:v11+s10+$0x0], $0xffff  }
0x169: {  	v8 =	vor.u32 v3, v8;
	v9 =	vor.u32 v3, v9;
	v20 =	vxor.u32 s28, v0  }
0x16a: {  	v10 =	vor.u32 v3, v10;
	v11 =	vor.u32 v3, v15;
	v15 =	vadd.s32 v4, v20  }
0x16b: {  	[tilespmem:v21+s13+$0x0] =	vst.idx.msk $0xffff, v26;
	v12 =	vand.u32 $0x7F, v20;
	v20 =	vand.u32 $0x400, v25;
	v25 =	vmov s29;
	v21 =	vld.idx.msk [tilespmem:v24+s10+$0x0], $0xffff  }
0x16c: {  	v24 =	vadd.s32 v4, v27;
	v12 =	vor.u32 v12, v20;
	v25 =	vshll.u32 v25, $0x3;
	v20 =	vld.idx.msk [tilespmem:v17+s10+$0x0], $0xffff  }
0x16d: {  	v17 =	vld.idx.msk [tilespmem:v18+s10+$0x0], $0xffff;
	v12 =	vor.u32 v3, v12;
	v25 =	vand.u32 $0x400, v25;
	[tilespmem:v13+s13+$0x0] =	vst.idx.msk $0xffff, v23;
	v23 =	vxor.u32 s30, v0  }
0x16e: {  	v18 =	vld.idx.msk [tilespmem:v19+s10+$0x0], $0xffff;
	v25 =	vor.u32 v28, v25;
	v13 =	vshll.u32 v32, $0x3;
	v28 =	vand.u32 $0x7F, v23  }
0x16f: {  	s19 =	simm.s32 $0x2;
	v19 =	vld.idx.msk [tilespmem:v22+s10+$0x0], $0xffff;
	v32 =	vand.u32 $0x400, v13;
	v13 =	vor.u32 v3, v25;
	v23 =	vadd.s32 v4, v23  }
0x170: {  	s17 =	simm.s32 $0x10;
	s18 =	simm.s32 $0x1;
	[tilespmem:v29+s13+$0x0] =	vst.idx.msk $0xffff, v31;
	v22 =	vld.idx.msk [tilespmem:v30+s10+$0x0], $0xffff;
	v25 =	vxor.u32 s19, v0;
	v26 =	vor.u32 v28, v32;
	v28 =	vmov s31  }
.LBB2_12:
0x171: {  	p0 =	slt.u32 s17, $0xB0;
	v29 =	vxor.u32 s18, v0;
	v30 =	vadd.s32 v4, v25;
	v28 =	vshll.u32 v28, $0x3;
	v14 =	vld.idx.msk [tilespmem:v14+s10+$0x0], $0xffff;
	[tilespmem:v5+s13+$0x0] =	vst.idx.msk $0xffff, v20  }
0x172: {  	v20 =	vand.u32 $0x7F, v27;
	v5 =	vadd.s32 v4, v29;
	v27 =	vand.u32 $0x400, v28;
	v15 =	vld.idx.msk [tilespmem:v15+s10+$0x0], $0xffff;
	[tilespmem:v6+s13+$0x0] =	vst.idx.msk $0xffff, v17  }
0x173: {  	v6 =	vmov s19;
	v17 =	vor.u32 v20, v27;
	v20 =	vor.u32 v3, v26;
	v16 =	vld.idx.msk [tilespmem:v16+s10+$0x0], $0xffff;
	[tilespmem:v7+s13+$0x0] =	vst.idx.msk $0xffff, v18  }
0x174: {  	v7 =	vmov s18;
	v6 =	vshll.u32 v6, $0x3;
	v17 =	vor.u32 v3, v17;
	v18 =	vld.idx.msk [tilespmem:v23+s10+$0x0], $0xffff;
	[tilespmem:v8+s13+$0x0] =	vst.idx.msk $0xffff, v19  }
0x175: {  	v7 =	vshll.u32 v7, $0x3;
	v8 =	vand.u32 $0x7F, v25;
	v6 =	vand.u32 $0x400, v6;
	v19 =	vld.idx.msk [tilespmem:v24+s10+$0x0], $0xffff;
	[tilespmem:v9+s13+$0x0] =	vst.idx.msk $0xffff, v21  }
0x176: {  	v9 =	vand.u32 $0x7F, v29;
	v7 =	vand.u32 $0x400, v7;
	v6 =	vor.u32 v8, v6;
	v21 =	vld.idx.msk [tilespmem:v30+s10+$0x0], $0xffff;
	[tilespmem:v10+s13+$0x0] =	vst.idx.msk $0xffff, v22  }
0x177: {  	v8 =	vmov s17;
	v7 =	vor.u32 v9, v7;
	v6 =	vor.u32 v3, v6;
	v5 =	vld.idx.msk [tilespmem:v5+s10+$0x0], $0xffff;
	[tilespmem:v11+s13+$0x0] =	vst.idx.msk $0xffff, v14  }
0x178: {  	v9 =	vor.u32 s17, v0;
	v8 =	vshll.u32 v8, $0x3;
	v7 =	vor.u32 v3, v7;
	[tilespmem:v12+s13+$0x0] =	vst.idx.msk $0xffff, v15  }
0x179: {  	s18 =	sadd.s32 $0xF, s17;
	v10 =	vand.u32 $0x7F, v9;
	v8 =	vand.u32 $0x400, v8;
	[tilespmem:v13+s13+$0x0] =	vst.idx.msk $0xffff, v16  }
0x17a: {  	v11 =	vadd.s32 v4, v9;
	v9 =	vmov s18;
	v8 =	vor.u32 v10, v8;
	[tilespmem:v20+s13+$0x0] =	vst.idx.msk $0xffff, v18  }
0x17b: {  	v9 =	vshll.u32 v9, $0x3;
	v13 =	vor.u32 v3, v8;
	v8 =	vxor.u32 s18, v0;
	[tilespmem:v17+s13+$0x0] =	vst.idx.msk $0xffff, v19  }
0x17c: {  	s18 =	sadd.s32 $0xE, s17;
	v9 =	vand.u32 $0x400, v9;
	v12 =	vadd.s32 v4, v8;
	v8 =	vand.u32 $0x7F, v8;
	[tilespmem:v6+s13+$0x0] =	vst.idx.msk $0xffff, v21  }
0x17d: {  	v10 =	vxor.u32 s18, v0;
	v8 =	vor.u32 v8, v9;
	v6 =	vmov s18;
	[tilespmem:v7+s13+$0x0] =	vst.idx.msk $0xffff, v5  }
0x17e: {  	s18 =	sadd.s32 $0xD, s17;
	v21 =	vor.u32 v3, v8;
	v5 =	vand.u32 $0x7F, v10;
	v6 =	vshll.u32 v6, $0x3  }
0x17f: {  	v16 =	vadd.s32 v4, v10;
	v7 =	vmov s18;
	v6 =	vand.u32 $0x400, v6  }
0x180: {  	v8 =	vxor.u32 s18, v0;
	v7 =	vshll.u32 v7, $0x3;
	v5 =	vor.u32 v5, v6  }
0x181: {  	s18 =	sadd.s32 $0xC, s17;
	v6 =	vand.u32 $0x7F, v8;
	v7 =	vand.u32 $0x400, v7;
	v29 =	vor.u32 v3, v5  }
0x182: {  	v17 =	vadd.s32 v4, v8;
	v5 =	vmov s18;
	v6 =	vor.u32 v6, v7  }
0x183: {  	v7 =	vxor.u32 s18, v0;
	v8 =	vshll.u32 v5, $0x3;
	v5 =	vor.u32 v3, v6  }
0x184: {  	s18 =	sadd.s32 $0xB, s17;
	v18 =	vadd.s32 v4, v7;
	v6 =	vand.u32 $0x7F, v7;
	v7 =	vand.u32 $0x400, v8  }
0x185: {  	v9 =	vxor.u32 s18, v0;
	v8 =	vmov s18;
	v6 =	vor.u32 v6, v7  }
0x186: {  	s18 =	sadd.s32 $0xA, s17;
	v7 =	vand.u32 $0x7F, v9;
	v8 =	vshll.u32 v8, $0x3;
	v6 =	vor.u32 v3, v6  }
0x187: {  	v19 =	vadd.s32 v4, v9;
	v10 =	vmov s18;
	v8 =	vand.u32 $0x400, v8  }
0x188: {  	v9 =	vxor.u32 s18, v0;
	v10 =	vshll.u32 v10, $0x3;
	v7 =	vor.u32 v7, v8  }
0x189: {  	s18 =	sadd.s32 $0x9, s17;
	v8 =	vand.u32 $0x7F, v9;
	v10 =	vand.u32 $0x400, v10;
	v7 =	vor.u32 v3, v7  }
0x18a: {  	v14 =	vmov s18;
	v22 =	vadd.s32 v4, v9;
	v8 =	vor.u32 v8, v10  }
0x18b: {  	v9 =	vxor.u32 s18, v0;
	v10 =	vshll.u32 v14, $0x3;
	v8 =	vor.u32 v3, v8  }
0x18c: {  	s18 =	sadd.s32 $0x8, s17;
	v24 =	vadd.s32 v4, v9;
	v9 =	vand.u32 $0x7F, v9;
	v10 =	vand.u32 $0x400, v10  }
0x18d: {  	v14 =	vmov s18;
	v15 =	vxor.u32 s18, v0;
	v9 =	vor.u32 v9, v10  }
0x18e: {  	s18 =	sadd.s32 $0x7, s17;
	v14 =	vshll.u32 v14, $0x3;
	v10 =	vand.u32 $0x7F, v15;
	v9 =	vor.u32 v3, v9  }
0x18f: {  	v20 =	vmov s18;
	v30 =	vadd.s32 v4, v15;
	v14 =	vand.u32 $0x400, v14  }
0x190: {  	v15 =	vxor.u32 s18, v0;
	v20 =	vshll.u32 v20, $0x3;
	v10 =	vor.u32 v10, v14  }
0x191: {  	s18 =	sadd.s32 $0x6, s17;
	v23 =	vand.u32 $0x7F, v15;
	v20 =	vand.u32 $0x400, v20;
	v10 =	vor.u32 v3, v10  }
0x192: {  	v14 =	vadd.s32 v4, v15;
	v15 =	vor.u32 v23, v20;
	v25 =	vld.idx.msk [tilespmem:v11+s10+$0x0], $0xffff;
	v11 =	vmov s18  }
0x193: {  	v20 =	vxor.u32 s18, v0;
	v23 =	vshll.u32 v11, $0x3;
	v11 =	vor.u32 v3, v15;
	v26 =	vld.idx.msk [tilespmem:v12+s10+$0x0], $0xffff  }
0x194: {  	s18 =	sadd.s32 $0x5, s17;
	v15 =	vadd.s32 v4, v20;
	v12 =	vand.u32 $0x7F, v20;
	v20 =	vand.u32 $0x400, v23  }
0x195: {  	v27 =	vxor.u32 s18, v0;
	v23 =	vmov s18;
	v12 =	vor.u32 v12, v20;
	v31 =	vld.idx.msk [tilespmem:v16+s10+$0x0], $0xffff  }
0x196: {  	s18 =	sadd.s32 $0x4, s17;
	v28 =	vand.u32 $0x7F, v27;
	v23 =	vshll.u32 v23, $0x3;
	v12 =	vor.u32 v3, v12;
	v20 =	vld.idx.msk [tilespmem:v17+s10+$0x0], $0xffff  }
.Ltmp5:
0x197: {  	v32 =	vmov s18;
	v16 =	vadd.s32 v4, v27;
	v23 =	vand.u32 $0x400, v23;
	v17 =	vld.idx.msk [tilespmem:v18+s10+$0x0], $0xffff;
	(pc) =	sbr.rel @p0 .LBB2_12-.Ltmp5, $4  }
0x198: {  	v23 =	vor.u32 v28, v23;
	[tilespmem:v13+s13+$0x0] =	vst.idx.msk $0xffff, v25;
	v25 =	vxor.u32 s18, v0;
	v13 =	vshll.u32 v32, $0x3;
	v18 =	vld.idx.msk [tilespmem:v19+s10+$0x0], $0xffff  }
0x199: {  	s20 =	sadd.s32 $0x3, s17;
	v28 =	vand.u32 $0x7F, v25;
	v32 =	vand.u32 $0x400, v13;
	v13 =	vor.u32 v3, v23;
	v19 =	vld.idx.msk [tilespmem:v22+s10+$0x0], $0xffff;
	[tilespmem:v21+s13+$0x0] =	vst.idx.msk $0xffff, v26  }
0x19a: {  	s19 =	sadd.s32 $0x2, s17;
	v27 =	vxor.u32 s20, v0;
	v23 =	vadd.s32 v4, v25;
	v26 =	vor.u32 v28, v32;
	v21 =	vld.idx.msk [tilespmem:v24+s10+$0x0], $0xffff  }
0x19b: {  	s18 =	sadd.s32 $0x1, s17;
	s17 =	sadd.s32 $0x10, s17;
	v25 =	vxor.u32 s19, v0;
	v28 =	vmov s20;
	v24 =	vadd.s32 v4, v27;
	v22 =	vld.idx.msk [tilespmem:v30+s10+$0x0], $0xffff;
	[tilespmem:v29+s13+$0x0] =	vst.idx.msk $0xffff, v31  }
0x19c: {  	_ =	sdelay $0x3  }
0x19d: {  	v29 =	vxor.u32 s18, v0;
	v30 =	vadd.s32 v4, v25;
	v28 =	vshll.u32 v28, $0x3;
	[tilespmem:v5+s13+$0x0] =	vst.idx.msk $0xffff, v20;
	v5 =	vld.idx.msk [tilespmem:v14+s10+$0x0], $0xffff  }
0x19e: {  	v52 =	vand.u32 $0x7F, v27;
	[tilespmem:v6+s13+$0x0] =	vst.idx.msk $0xffff, v17;
	v54 =	vld.idx.msk [tilespmem:v15+s10+$0x0], $0xffff;
	v55 =	vmov s19;
	v56 =	vor.u32 v3, v26  }
0x19f: {  	v57 =	vld.idx.msk [tilespmem:v16+s10+$0x0], $0xffff;
	v58 =	vmov s18;
	v60 =	vand.u32 $0x7F, v25;
	v4 =	vadd.s32 v4, v29;
	[tilespmem:v7+s13+$0x0] =	vst.idx.msk $0xffff, v18  }
0x1a0: {  	v59 =	vld.idx.msk [tilespmem:v23+s10+$0x0], $0xffff;
	v53 =	vand.u32 $0x400, v28;
	v15 =	vshll.u32 v55, $0x3;
	v16 =	vshll.u32 v58, $0x3;
	[tilespmem:v8+s13+$0x0] =	vst.idx.msk $0xffff, v19  }
0x1a1: {  	v61 =	vld.idx.msk [tilespmem:v24+s10+$0x0], $0xffff;
	v62 =	vand.u32 $0x7F, v29;
	v14 =	vor.u32 v52, v53;
	v15 =	vand.u32 $0x400, v15;
	[tilespmem:v9+s13+$0x0] =	vst.idx.msk $0xffff, v21  }
0x1a2: {  	v16 =	vand.u32 $0x400, v16;
	v14 =	vor.u32 v3, v14;
	v15 =	vor.u32 v60, v15;
	[tilespmem:v10+s13+$0x0] =	vst.idx.msk $0xffff, v22  }
0x1a3: {  	v16 =	vor.u32 v62, v16;
	v15 =	vor.u32 v3, v15;
	v63 =	vld.idx.msk [tilespmem:v30+s10+$0x0], $0xffff;
	[tilespmem:v11+s13+$0x0] =	vst.idx.msk $0xffff, v5  }
0x1a4: {  	v5 =	vor.u32 v3, v16;
	[tilespmem:v12+s13+$0x0] =	vst.idx.msk $0xffff, v54;
	v4 =	vld.idx.msk [tilespmem:v4+s10+$0x0], $0xffff  }
0x1a5: {  	[tilespmem:v13+s13+$0x0] =	vst.idx.msk $0xffff, v57  }
0x1a6: {  	[tilespmem:v56+s13+$0x0] =	vst.idx.msk $0xffff, v59  }
0x1a7: {  	[tilespmem:v14+s13+$0x0] =	vst.idx.msk $0xffff, v61  }
0x1a8: {  	[tilespmem:v15+s13+$0x0] =	vst.idx.msk $0xffff, v63  }
0x1a9: {  	s17 =	simm.s32 $0x1;
	[tilespmem:v5+s13+$0x0] =	vst.idx.msk $0xffff, v4  }
0x1aa: {  	[hbm4b:s8+s2] =	stream.linear.scatter [tilespmem:s13], [sflag:$0x2], $0xE000, $0x38;
	[tilespmem:$0x1EB00] =	vst v63  }
.LBB2_14:
0x1ab: {  	s18 =	smul.u32 $0x640, s17  }
0x1ac: {  	_ =	swait.ge [sflag:s14], $0xE000  }
0x1ad: {  	[sflag:s14] =	ssyncset.done $0x0;
	s18 =	sshra.s32 s18, $0x2  }
0x1ae: {  	s19 =	simm.s32 $0x0;
	s20 =	simm.s32 $0x0;
	[sflag:s14] =	ssyncadd.s32 $0xFFFF2000;
	v4 =	vmov s18  }
.LBB2_15:
0x1af: {  	s21 =	sshll.u32 s20, $0x4  }
0x1b0: {  	v5 =	vmov s21  }
0x1b1: {  	v5 =	vbroadcast v5, $0x0;
	_ =	sdelay $0x1  }
0x1b2: {  	v6 =	vor.u32 v0, v5  }
0x1b3: {  	v7 =	vmulhi.u32 $0x51EB851F, v6;
	_ =	sdelay $0x1  }
0x1b4: {  	v7 =	vshrl.u32 v7, $0x4  }
0x1b5: {  	v8 =	vmul.u32 $0xFFFFFFCE, v7  }
0x1b6: {  	v9 =	vsub.s32 v1, v5  }
0x1b7: {  	vm0 =	veq.s32 v5, v0;
	vm1 =	vne.s32 v8, v9  }
0x1b8: {  	s29 =	simm.s32 $0xE;
	vm0 =	vmand vm0, vm1  }
0x1b9: {  	s22 =	simm.s32 $0xB;
	s23 =	simm.s32 $0xA;
	v10 =	vxor.u32 s29, v0;
	v8 =	vld.idx.msk [tilespmem:v4+s21+$0x0 ss:$0x1], $0xffff;
	v5 =	vsel vm0, $0xFFFFFFFF, v2  }
0x1ba: {  	s24 =	simm.s32 $0x9;
	s26 =	simm.s32 $0x7;
	v11 =	vxor.u32 s22, v0;
	v12 =	vmov s23;
	v5 =	vadd.s32 v5, v7  }
0x1bb: {  	s25 =	simm.s32 $0x8;
	v16 =	vmov s24;
	v22 =	vmov s26;
	v7 =	vmul.u32 $0xFFFFFFCE, v5  }
0x1bc: {  	v17 =	vxor.u32 s25, v0;
	v12 =	vshll.u32 v12, $0x3;
	v22 =	vshll.u32 v22, $0x3  }
0x1bd: {  	v12 =	vand.u32 $0x400, v12;
	v22 =	vand.u32 $0x400, v22;
	v7 =	vadd.s32 v6, v7  }
0x1be: {  	v6 =	vmul.u32 $0xC0, v8;
	v9 =	vshll.u32 v7, $0x8;
	v7 =	vshll.u32 v7, $0x7  }
0x1bf: {  	v5 =	vmul.u32 $0x3800, v5;
	v8 =	vand.u32 $0xFFFFF800, v9;
	v7 =	vand.u32 $0x380, v7  }
0x1c0: {  	v9 =	vor.u32 s19, v0;
	v18 =	vadd.s32 v6, v10;
	v21 =	vadd.s32 v6, v11  }
0x1c1: {  	v32 =	vadd.s32 v6, v17;
	v5 =	vadd.s32 v5, v8;
	v8 =	vmov s19  }
0x1c2: {  	v13 =	vadd.s32 v6, v9;
	v8 =	vshll.u32 v8, $0x3;
	v5 =	vor.u32 v5, v7  }
0x1c3: {  	v7 =	vand.u32 $0x7F, v9;
	v9 =	vmov s29;
	s29 =	simm.s32 $0x5;
	v8 =	vand.u32 $0x400, v8  }
0x1c4: {  	s28 =	simm.s32 $0xF;
	v9 =	vshll.u32 v9, $0x3;
	v29 =	vxor.u32 s29, v0;
	v7 =	vor.u32 v8, v7  }
0x1c5: {  	v8 =	vmov s28;
	v9 =	vand.u32 $0x400, v9;
	v30 =	vand.u32 $0x7F, v29  }
0x1c6: {  	v15 =	vor.u32 v5, v7;
	v7 =	vxor.u32 s28, v0;
	v8 =	vshll.u32 v8, $0x3  }
0x1c7: {  	s28 =	simm.s32 $0x6;
	v14 =	vadd.s32 v6, v7;
	v7 =	vand.u32 $0x7F, v7;
	v8 =	vand.u32 $0x400, v8  }
0x1c8: {  	s30 =	simm.s32 $0xD;
	v33 =	vld.idx.msk [tilespmem:v18+s10+$0x0], $0xffff;
	v18 =	vadd.s32 v6, v29;
	v27 =	vmov s28;
	v7 =	vor.u32 v8, v7  }
0x1c9: {  	v8 =	vand.u32 $0x7F, v10;
	v10 =	vxor.u32 s30, v0;
	v27 =	vshll.u32 v27, $0x3  }
0x1ca: {  	v23 =	vor.u32 v5, v7;
	v7 =	vmov s30;
	v8 =	vor.u32 v9, v8  }
0x1cb: {  	s31 =	simm.s32 $0xC;
	v9 =	vand.u32 $0x7F, v10;
	v19 =	vadd.s32 v6, v10;
	v10 =	vmov s22  }
0x1cc: {  	s30 =	simm.s32 $0x4;
	v7 =	vshll.u32 v7, $0x3;
	v31 =	vor.u32 v5, v8;
	v8 =	vmov s31  }
0x1cd: {  	v10 =	vshll.u32 v10, $0x3;
	v34 =	vmov s30;
	v7 =	vand.u32 $0x400, v7  }
0x1ce: {  	v8 =	vshll.u32 v8, $0x3;
	v10 =	vand.u32 $0x400, v10;
	v7 =	vor.u32 v7, v9  }
0x1cf: {  	v9 =	vxor.u32 s31, v0;
	v8 =	vand.u32 $0x400, v8;
	s31 =	simm.s32 $0x3;
	v7 =	vor.u32 v5, v7  }
0x1d0: {  	v20 =	vadd.s32 v6, v9;
	v9 =	vand.u32 $0x7F, v9;
	v29 =	vxor.u32 s31, v0  }
0x1d1: {  	v8 =	vor.u32 v8, v9;
	v9 =	vand.u32 $0x7F, v11;
	v11 =	vxor.u32 s23, v0  }
0x1d2: {  	v8 =	vor.u32 v5, v8;
	v9 =	vor.u32 v10, v9;
	v10 =	vand.u32 $0x7F, v11  }
0x1d3: {  	v24 =	vadd.s32 v6, v11;
	v11 =	vxor.u32 s24, v0;
	v10 =	vor.u32 v12, v10  }
0x1d4: {  	v12 =	vshll.u32 v16, $0x3;
	v26 =	vadd.s32 v6, v11;
	v16 =	vmov s25  }
0x1d5: {  	v11 =	vand.u32 $0x7F, v11;
	v12 =	vand.u32 $0x400, v12;
	v16 =	vshll.u32 v16, $0x3  }
0x1d6: {  	v28 =	vld.idx.msk [tilespmem:v14+s10+$0x0], $0xffff;
	v11 =	vor.u32 v12, v11;
	v12 =	vand.u32 $0x7F, v17;
	v17 =	vxor.u32 s26, v0  }
0x1d7: {  	v9 =	vor.u32 v5, v9;
	v16 =	vand.u32 $0x400, v16;
	v25 =	vand.u32 $0x7F, v17  }
0x1d8: {  	v12 =	vor.u32 v16, v12;
	v16 =	vadd.s32 v6, v17;
	v17 =	vor.u32 v22, v25;
	v25 =	vld.idx.msk [tilespmem:v13+s10+$0x0], $0xffff  }
0x1d9: {  	v10 =	vor.u32 v5, v10;
	v11 =	vor.u32 v5, v11;
	v22 =	vxor.u32 s28, v0  }
0x1da: {  	v12 =	vor.u32 v5, v12;
	v13 =	vor.u32 v5, v17;
	v17 =	vadd.s32 v6, v22  }
0x1db: {  	[tilespmem:v23+s12+$0x0] =	vst.idx.msk $0xffff, v28;
	v14 =	vand.u32 $0x7F, v22;
	v22 =	vand.u32 $0x400, v27;
	v27 =	vmov s29;
	v23 =	vld.idx.msk [tilespmem:v26+s10+$0x0], $0xffff  }
0x1dc: {  	v26 =	vadd.s32 v6, v29;
	v14 =	vor.u32 v22, v14;
	v27 =	vshll.u32 v27, $0x3;
	v22 =	vld.idx.msk [tilespmem:v19+s10+$0x0], $0xffff  }
0x1dd: {  	v19 =	vld.idx.msk [tilespmem:v20+s10+$0x0], $0xffff;
	v14 =	vor.u32 v5, v14;
	v27 =	vand.u32 $0x400, v27;
	[tilespmem:v15+s12+$0x0] =	vst.idx.msk $0xffff, v25;
	v25 =	vxor.u32 s30, v0  }
0x1de: {  	v20 =	vld.idx.msk [tilespmem:v21+s10+$0x0], $0xffff;
	v27 =	vor.u32 v27, v30;
	v15 =	vshll.u32 v34, $0x3;
	v30 =	vand.u32 $0x7F, v25  }
0x1df: {  	s23 =	simm.s32 $0x2;
	v21 =	vld.idx.msk [tilespmem:v24+s10+$0x0], $0xffff;
	v34 =	vand.u32 $0x400, v15;
	v15 =	vor.u32 v5, v27;
	v25 =	vadd.s32 v6, v25  }
0x1e0: {  	s21 =	simm.s32 $0x10;
	s22 =	simm.s32 $0x1;
	[tilespmem:v31+s12+$0x0] =	vst.idx.msk $0xffff, v33;
	v24 =	vld.idx.msk [tilespmem:v32+s10+$0x0], $0xffff;
	v27 =	vxor.u32 s23, v0;
	v28 =	vor.u32 v34, v30;
	v30 =	vmov s31  }
.LBB2_16:
0x1e1: {  	p0 =	slt.u32 s21, $0xB0;
	v31 =	vxor.u32 s22, v0;
	v32 =	vadd.s32 v6, v27;
	v30 =	vshll.u32 v30, $0x3;
	v16 =	vld.idx.msk [tilespmem:v16+s10+$0x0], $0xffff;
	[tilespmem:v7+s12+$0x0] =	vst.idx.msk $0xffff, v22  }
0x1e2: {  	v22 =	vand.u32 $0x7F, v29;
	v7 =	vadd.s32 v6, v31;
	v29 =	vand.u32 $0x400, v30;
	v17 =	vld.idx.msk [tilespmem:v17+s10+$0x0], $0xffff;
	[tilespmem:v8+s12+$0x0] =	vst.idx.msk $0xffff, v19  }
0x1e3: {  	v8 =	vmov s23;
	v19 =	vor.u32 v29, v22;
	v22 =	vor.u32 v5, v28;
	v18 =	vld.idx.msk [tilespmem:v18+s10+$0x0], $0xffff;
	[tilespmem:v9+s12+$0x0] =	vst.idx.msk $0xffff, v20  }
0x1e4: {  	v9 =	vmov s22;
	v8 =	vshll.u32 v8, $0x3;
	v19 =	vor.u32 v5, v19;
	v20 =	vld.idx.msk [tilespmem:v25+s10+$0x0], $0xffff;
	[tilespmem:v10+s12+$0x0] =	vst.idx.msk $0xffff, v21  }
0x1e5: {  	v9 =	vshll.u32 v9, $0x3;
	v10 =	vand.u32 $0x7F, v27;
	v8 =	vand.u32 $0x400, v8;
	v21 =	vld.idx.msk [tilespmem:v26+s10+$0x0], $0xffff;
	[tilespmem:v11+s12+$0x0] =	vst.idx.msk $0xffff, v23  }
0x1e6: {  	v11 =	vand.u32 $0x7F, v31;
	v9 =	vand.u32 $0x400, v9;
	v8 =	vor.u32 v8, v10;
	v23 =	vld.idx.msk [tilespmem:v32+s10+$0x0], $0xffff;
	[tilespmem:v12+s12+$0x0] =	vst.idx.msk $0xffff, v24  }
0x1e7: {  	v10 =	vmov s21;
	v9 =	vor.u32 v9, v11;
	v8 =	vor.u32 v5, v8;
	v7 =	vld.idx.msk [tilespmem:v7+s10+$0x0], $0xffff;
	[tilespmem:v13+s12+$0x0] =	vst.idx.msk $0xffff, v16  }
0x1e8: {  	v11 =	vor.u32 s21, v0;
	v10 =	vshll.u32 v10, $0x3;
	v9 =	vor.u32 v5, v9;
	[tilespmem:v14+s12+$0x0] =	vst.idx.msk $0xffff, v17  }
0x1e9: {  	s22 =	sadd.s32 $0xF, s21;
	v12 =	vand.u32 $0x7F, v11;
	v10 =	vand.u32 $0x400, v10;
	[tilespmem:v15+s12+$0x0] =	vst.idx.msk $0xffff, v18  }
0x1ea: {  	v13 =	vadd.s32 v6, v11;
	v11 =	vmov s22;
	v10 =	vor.u32 v10, v12;
	[tilespmem:v22+s12+$0x0] =	vst.idx.msk $0xffff, v20  }
0x1eb: {  	v11 =	vshll.u32 v11, $0x3;
	v15 =	vor.u32 v5, v10;
	v10 =	vxor.u32 s22, v0;
	[tilespmem:v19+s12+$0x0] =	vst.idx.msk $0xffff, v21  }
0x1ec: {  	s22 =	sadd.s32 $0xE, s21;
	v11 =	vand.u32 $0x400, v11;
	v14 =	vadd.s32 v6, v10;
	v10 =	vand.u32 $0x7F, v10;
	[tilespmem:v8+s12+$0x0] =	vst.idx.msk $0xffff, v23  }
0x1ed: {  	v12 =	vxor.u32 s22, v0;
	v10 =	vor.u32 v11, v10;
	v8 =	vmov s22;
	[tilespmem:v9+s12+$0x0] =	vst.idx.msk $0xffff, v7  }
0x1ee: {  	s22 =	sadd.s32 $0xD, s21;
	v23 =	vor.u32 v5, v10;
	v7 =	vand.u32 $0x7F, v12;
	v8 =	vshll.u32 v8, $0x3  }
0x1ef: {  	v18 =	vadd.s32 v6, v12;
	v9 =	vmov s22;
	v8 =	vand.u32 $0x400, v8  }
0x1f0: {  	v10 =	vxor.u32 s22, v0;
	v9 =	vshll.u32 v9, $0x3;
	v7 =	vor.u32 v8, v7  }
0x1f1: {  	s22 =	sadd.s32 $0xC, s21;
	v8 =	vand.u32 $0x7F, v10;
	v9 =	vand.u32 $0x400, v9;
	v31 =	vor.u32 v5, v7  }
0x1f2: {  	v19 =	vadd.s32 v6, v10;
	v7 =	vmov s22;
	v8 =	vor.u32 v9, v8  }
0x1f3: {  	v9 =	vxor.u32 s22, v0;
	v10 =	vshll.u32 v7, $0x3;
	v7 =	vor.u32 v5, v8  }
0x1f4: {  	s22 =	sadd.s32 $0xB, s21;
	v20 =	vadd.s32 v6, v9;
	v8 =	vand.u32 $0x7F, v9;
	v9 =	vand.u32 $0x400, v10  }
0x1f5: {  	v11 =	vxor.u32 s22, v0;
	v10 =	vmov s22;
	v8 =	vor.u32 v9, v8  }
0x1f6: {  	s22 =	sadd.s32 $0xA, s21;
	v9 =	vand.u32 $0x7F, v11;
	v10 =	vshll.u32 v10, $0x3;
	v8 =	vor.u32 v5, v8  }
0x1f7: {  	v21 =	vadd.s32 v6, v11;
	v12 =	vmov s22;
	v10 =	vand.u32 $0x400, v10  }
0x1f8: {  	v11 =	vxor.u32 s22, v0;
	v12 =	vshll.u32 v12, $0x3;
	v9 =	vor.u32 v10, v9  }
0x1f9: {  	s22 =	sadd.s32 $0x9, s21;
	v10 =	vand.u32 $0x7F, v11;
	v12 =	vand.u32 $0x400, v12;
	v9 =	vor.u32 v5, v9  }
0x1fa: {  	v16 =	vmov s22;
	v24 =	vadd.s32 v6, v11;
	v10 =	vor.u32 v12, v10  }
0x1fb: {  	v11 =	vxor.u32 s22, v0;
	v12 =	vshll.u32 v16, $0x3;
	v10 =	vor.u32 v5, v10  }
0x1fc: {  	s22 =	sadd.s32 $0x8, s21;
	v26 =	vadd.s32 v6, v11;
	v11 =	vand.u32 $0x7F, v11;
	v12 =	vand.u32 $0x400, v12  }
0x1fd: {  	v16 =	vmov s22;
	v17 =	vxor.u32 s22, v0;
	v11 =	vor.u32 v12, v11  }
0x1fe: {  	s22 =	sadd.s32 $0x7, s21;
	v16 =	vshll.u32 v16, $0x3;
	v12 =	vand.u32 $0x7F, v17;
	v11 =	vor.u32 v5, v11  }
0x1ff: {  	v22 =	vmov s22;
	v32 =	vadd.s32 v6, v17;
	v16 =	vand.u32 $0x400, v16  }
0x200: {  	v17 =	vxor.u32 s22, v0;
	v22 =	vshll.u32 v22, $0x3;
	v12 =	vor.u32 v16, v12  }
0x201: {  	s22 =	sadd.s32 $0x6, s21;
	v25 =	vand.u32 $0x7F, v17;
	v22 =	vand.u32 $0x400, v22;
	v12 =	vor.u32 v5, v12  }
0x202: {  	v16 =	vadd.s32 v6, v17;
	v17 =	vor.u32 v22, v25;
	v27 =	vld.idx.msk [tilespmem:v13+s10+$0x0], $0xffff;
	v13 =	vmov s22  }
0x203: {  	v22 =	vxor.u32 s22, v0;
	v25 =	vshll.u32 v13, $0x3;
	v13 =	vor.u32 v5, v17;
	v28 =	vld.idx.msk [tilespmem:v14+s10+$0x0], $0xffff  }
0x204: {  	s22 =	sadd.s32 $0x5, s21;
	v17 =	vadd.s32 v6, v22;
	v14 =	vand.u32 $0x7F, v22;
	v22 =	vand.u32 $0x400, v25  }
0x205: {  	v29 =	vxor.u32 s22, v0;
	v25 =	vmov s22;
	v14 =	vor.u32 v22, v14;
	v33 =	vld.idx.msk [tilespmem:v18+s10+$0x0], $0xffff  }
0x206: {  	s22 =	sadd.s32 $0x4, s21;
	v30 =	vand.u32 $0x7F, v29;
	v25 =	vshll.u32 v25, $0x3;
	v14 =	vor.u32 v5, v14;
	v22 =	vld.idx.msk [tilespmem:v19+s10+$0x0], $0xffff  }
.Ltmp6:
0x207: {  	v34 =	vmov s22;
	v18 =	vadd.s32 v6, v29;
	v25 =	vand.u32 $0x400, v25;
	v19 =	vld.idx.msk [tilespmem:v20+s10+$0x0], $0xffff;
	(pc) =	sbr.rel @p0 .LBB2_16-.Ltmp6, $4  }
0x208: {  	v25 =	vor.u32 v25, v30;
	[tilespmem:v15+s12+$0x0] =	vst.idx.msk $0xffff, v27;
	v27 =	vxor.u32 s22, v0;
	v15 =	vshll.u32 v34, $0x3;
	v20 =	vld.idx.msk [tilespmem:v21+s10+$0x0], $0xffff  }
0x209: {  	s24 =	sadd.s32 $0x3, s21;
	v30 =	vand.u32 $0x7F, v27;
	v34 =	vand.u32 $0x400, v15;
	v15 =	vor.u32 v5, v25;
	v21 =	vld.idx.msk [tilespmem:v24+s10+$0x0], $0xffff;
	[tilespmem:v23+s12+$0x0] =	vst.idx.msk $0xffff, v28  }
0x20a: {  	s23 =	sadd.s32 $0x2, s21;
	v29 =	vxor.u32 s24, v0;
	v25 =	vadd.s32 v6, v27;
	v28 =	vor.u32 v34, v30;
	v23 =	vld.idx.msk [tilespmem:v26+s10+$0x0], $0xffff  }
0x20b: {  	s22 =	sadd.s32 $0x1, s21;
	s21 =	sadd.s32 $0x10, s21;
	v27 =	vxor.u32 s23, v0;
	v30 =	vmov s24;
	v26 =	vadd.s32 v6, v29;
	v24 =	vld.idx.msk [tilespmem:v32+s10+$0x0], $0xffff;
	[tilespmem:v31+s12+$0x0] =	vst.idx.msk $0xffff, v33  }
0x20c: {  	_ =	sdelay $0x3  }
0x20d: {  	v31 =	vxor.u32 s22, v0;
	v32 =	vadd.s32 v6, v27;
	v30 =	vshll.u32 v30, $0x3;
	[tilespmem:v7+s12+$0x0] =	vst.idx.msk $0xffff, v22;
	v7 =	vld.idx.msk [tilespmem:v16+s10+$0x0], $0xffff  }
0x20e: {  	v52 =	vand.u32 $0x7F, v29;
	[tilespmem:v8+s12+$0x0] =	vst.idx.msk $0xffff, v19;
	v54 =	vld.idx.msk [tilespmem:v17+s10+$0x0], $0xffff;
	v55 =	vmov s23;
	v56 =	vor.u32 v5, v28  }
0x20f: {  	v57 =	vld.idx.msk [tilespmem:v18+s10+$0x0], $0xffff;
	v58 =	vmov s22;
	v60 =	vand.u32 $0x7F, v27;
	v6 =	vadd.s32 v6, v31;
	[tilespmem:v9+s12+$0x0] =	vst.idx.msk $0xffff, v20  }
0x210: {  	v59 =	vld.idx.msk [tilespmem:v25+s10+$0x0], $0xffff;
	v53 =	vand.u32 $0x400, v30;
	v17 =	vshll.u32 v55, $0x3;
	v18 =	vshll.u32 v58, $0x3;
	[tilespmem:v10+s12+$0x0] =	vst.idx.msk $0xffff, v21  }
0x211: {  	v61 =	vld.idx.msk [tilespmem:v26+s10+$0x0], $0xffff;
	v62 =	vand.u32 $0x7F, v31;
	v16 =	vor.u32 v53, v52;
	v17 =	vand.u32 $0x400, v17;
	[tilespmem:v11+s12+$0x0] =	vst.idx.msk $0xffff, v23  }
0x212: {  	v18 =	vand.u32 $0x400, v18;
	v16 =	vor.u32 v5, v16;
	v17 =	vor.u32 v17, v60;
	[tilespmem:v12+s12+$0x0] =	vst.idx.msk $0xffff, v24  }
0x213: {  	s20 =	sadd.s32 $0x1, s20;
	v18 =	vor.u32 v18, v62;
	v17 =	vor.u32 v5, v17;
	v63 =	vld.idx.msk [tilespmem:v32+s10+$0x0], $0xffff;
	[tilespmem:v13+s12+$0x0] =	vst.idx.msk $0xffff, v7  }
0x214: {  	p0 =	sne.s32 s20, $0xC;
	v5 =	vor.u32 v5, v18;
	[tilespmem:v14+s12+$0x0] =	vst.idx.msk $0xffff, v54;
	v6 =	vld.idx.msk [tilespmem:v6+s10+$0x0], $0xffff  }
.Ltmp7:
0x215: {  	[tilespmem:v15+s12+$0x0] =	vst.idx.msk $0xffff, v57;
	(pc) =	sbr.rel @p0 .LBB2_15-.Ltmp7, $4  }
0x216: {  	[tilespmem:v56+s12+$0x0] =	vst.idx.msk $0xffff, v59  }
0x217: {  	[tilespmem:v16+s12+$0x0] =	vst.idx.msk $0xffff, v61  }
0x218: {  	[tilespmem:v17+s12+$0x0] =	vst.idx.msk $0xffff, v63  }
0x219: {  	[tilespmem:v5+s12+$0x0] =	vst.idx.msk $0xffff, v6  }
0x21a: {  	s30 =	simm.s32 $0x0;
	s19 =	simm.s32 $0xE  }
0x21b: {  	s22 =	simm.s32 $0xB;
	s23 =	simm.s32 $0xA;
	s24 =	simm.s32 $0x9;
	v5 =	vmov s30;
	v6 =	vor.u32 s30, v0;
	v8 =	vxor.u32 s19, v0  }
0x21c: {  	s25 =	simm.s32 $0x8;
	s26 =	simm.s32 $0x7;
	s28 =	simm.s32 $0x6;
	v9 =	vxor.u32 s22, v0;
	v10 =	vmov s23;
	v14 =	vmov s24  }
0x21d: {  	v4 =	vld [tilespmem:s18+$0xB8];
	s29 =	simm.s32 $0x5;
	v15 =	vxor.u32 s25, v0;
	v20 =	vmov s26;
	v25 =	vmov s28  }
0x21e: {  	v27 =	vxor.u32 s29, v0;
	v5 =	vshll.u32 v5, $0x3;
	v7 =	vand.u32 $0x7F, v6  }
0x21f: {  	s30 =	simm.s32 $0x4;
	v10 =	vshll.u32 v10, $0x3;
	v20 =	vshll.u32 v20, $0x3;
	v25 =	vshll.u32 v25, $0x3  }
0x220: {  	v28 =	vand.u32 $0x7F, v27;
	v32 =	vmov s30;
	v5 =	vand.u32 $0x400, v5  }
0x221: {  	v10 =	vand.u32 $0x400, v10;
	v5 =	vor.u32 v7, v5;
	v7 =	vmov s19  }
0x222: {  	s31 =	simm.s32 $0xF;
	v20 =	vand.u32 $0x400, v20;
	v4 =	vmul.u32 $0xC0, v4;
	v7 =	vshll.u32 v7, $0x3  }
0x223: {  	v13 =	vor.u32 v3, v5;
	v5 =	vxor.u32 s31, v0;
	v7 =	vand.u32 $0x400, v7  }
0x224: {  	v11 =	vadd.s32 v4, v6;
	v6 =	vmov s31;
	v12 =	vadd.s32 v4, v5  }
0x225: {  	v5 =	vand.u32 $0x7F, v5;
	v16 =	vadd.s32 v4, v8;
	v6 =	vshll.u32 v6, $0x3  }
0x226: {  	s20 =	simm.s32 $0xD;
	v19 =	vadd.s32 v4, v9;
	v30 =	vadd.s32 v4, v15;
	v6 =	vand.u32 $0x400, v6  }
0x227: {  	v5 =	vor.u32 v5, v6;
	v6 =	vand.u32 $0x7F, v8;
	v8 =	vxor.u32 s20, v0  }
0x228: {  	v21 =	vor.u32 v3, v5;
	v5 =	vmov s20;
	v6 =	vor.u32 v6, v7  }
0x229: {  	s21 =	simm.s32 $0xC;
	v7 =	vand.u32 $0x7F, v8;
	v17 =	vadd.s32 v4, v8;
	v8 =	vmov s22  }
0x22a: {  	s31 =	simm.s32 $0x3;
	v5 =	vshll.u32 v5, $0x3;
	v29 =	vor.u32 v3, v6;
	v6 =	vmov s21  }
0x22b: {  	v8 =	vshll.u32 v8, $0x3;
	v31 =	vld.idx.msk [tilespmem:v16+s10+$0x0], $0xffff;
	v16 =	vadd.s32 v4, v27;
	v27 =	vxor.u32 s31, v0  }
0x22c: {  	v5 =	vand.u32 $0x400, v5;
	v6 =	vshll.u32 v6, $0x3;
	v8 =	vand.u32 $0x400, v8  }
0x22d: {  	v5 =	vor.u32 v7, v5;
	v7 =	vxor.u32 s21, v0;
	v6 =	vand.u32 $0x400, v6  }
0x22e: {  	v5 =	vor.u32 v3, v5;
	v18 =	vadd.s32 v4, v7;
	v7 =	vand.u32 $0x7F, v7  }
0x22f: {  	v6 =	vor.u32 v7, v6;
	v7 =	vand.u32 $0x7F, v9;
	v9 =	vxor.u32 s23, v0  }
0x230: {  	v6 =	vor.u32 v3, v6;
	v7 =	vor.u32 v7, v8;
	v8 =	vand.u32 $0x7F, v9  }
0x231: {  	v22 =	vadd.s32 v4, v9;
	v9 =	vxor.u32 s24, v0;
	v8 =	vor.u32 v8, v10  }
0x232: {  	v10 =	vshll.u32 v14, $0x3;
	v24 =	vadd.s32 v4, v9;
	v14 =	vmov s25  }
0x233: {  	v9 =	vand.u32 $0x7F, v9;
	v10 =	vand.u32 $0x400, v10;
	v14 =	vshll.u32 v14, $0x3  }
0x234: {  	v26 =	vld.idx.msk [tilespmem:v12+s10+$0x0], $0xffff;
	v9 =	vor.u32 v9, v10;
	v10 =	vand.u32 $0x7F, v15;
	v15 =	vxor.u32 s26, v0  }
0x235: {  	v7 =	vor.u32 v3, v7;
	v14 =	vand.u32 $0x400, v14;
	v23 =	vand.u32 $0x7F, v15  }
0x236: {  	v10 =	vor.u32 v10, v14;
	v14 =	vadd.s32 v4, v15;
	v15 =	vor.u32 v23, v20;
	v23 =	vld.idx.msk [tilespmem:v11+s10+$0x0], $0xffff  }
0x237: {  	v8 =	vor.u32 v3, v8;
	v9 =	vor.u32 v3, v9;
	v20 =	vxor.u32 s28, v0  }
0x238: {  	v10 =	vor.u32 v3, v10;
	v11 =	vor.u32 v3, v15;
	v15 =	vadd.s32 v4, v20  }
0x239: {  	[tilespmem:v21+s12+$0x0] =	vst.idx.msk $0xffff, v26;
	v12 =	vand.u32 $0x7F, v20;
	v20 =	vand.u32 $0x400, v25;
	v25 =	vmov s29;
	v21 =	vld.idx.msk [tilespmem:v24+s10+$0x0], $0xffff  }
0x23a: {  	v24 =	vadd.s32 v4, v27;
	v12 =	vor.u32 v12, v20;
	v25 =	vshll.u32 v25, $0x3;
	v20 =	vld.idx.msk [tilespmem:v17+s10+$0x0], $0xffff  }
0x23b: {  	v17 =	vld.idx.msk [tilespmem:v18+s10+$0x0], $0xffff;
	v12 =	vor.u32 v3, v12;
	v25 =	vand.u32 $0x400, v25;
	[tilespmem:v13+s12+$0x0] =	vst.idx.msk $0xffff, v23;
	v23 =	vxor.u32 s30, v0  }
0x23c: {  	v18 =	vld.idx.msk [tilespmem:v19+s10+$0x0], $0xffff;
	v25 =	vor.u32 v28, v25;
	v13 =	vshll.u32 v32, $0x3;
	v28 =	vand.u32 $0x7F, v23  }
0x23d: {  	s20 =	simm.s32 $0x2;
	v19 =	vld.idx.msk [tilespmem:v22+s10+$0x0], $0xffff;
	v32 =	vand.u32 $0x400, v13;
	v13 =	vor.u32 v3, v25;
	v23 =	vadd.s32 v4, v23  }
0x23e: {  	s18 =	simm.s32 $0x10;
	s19 =	simm.s32 $0x1;
	[tilespmem:v29+s12+$0x0] =	vst.idx.msk $0xffff, v31;
	v22 =	vld.idx.msk [tilespmem:v30+s10+$0x0], $0xffff;
	v25 =	vxor.u32 s20, v0;
	v26 =	vor.u32 v28, v32;
	v28 =	vmov s31  }
.LBB2_19:
0x23f: {  	p0 =	slt.u32 s18, $0xB0;
	v29 =	vxor.u32 s19, v0;
	v30 =	vadd.s32 v4, v25;
	v28 =	vshll.u32 v28, $0x3;
	v14 =	vld.idx.msk [tilespmem:v14+s10+$0x0], $0xffff;
	[tilespmem:v5+s12+$0x0] =	vst.idx.msk $0xffff, v20  }
0x240: {  	v20 =	vand.u32 $0x7F, v27;
	v5 =	vadd.s32 v4, v29;
	v27 =	vand.u32 $0x400, v28;
	v15 =	vld.idx.msk [tilespmem:v15+s10+$0x0], $0xffff;
	[tilespmem:v6+s12+$0x0] =	vst.idx.msk $0xffff, v17  }
0x241: {  	v6 =	vmov s20;
	v17 =	vor.u32 v20, v27;
	v20 =	vor.u32 v3, v26;
	v16 =	vld.idx.msk [tilespmem:v16+s10+$0x0], $0xffff;
	[tilespmem:v7+s12+$0x0] =	vst.idx.msk $0xffff, v18  }
0x242: {  	v7 =	vmov s19;
	v6 =	vshll.u32 v6, $0x3;
	v17 =	vor.u32 v3, v17;
	v18 =	vld.idx.msk [tilespmem:v23+s10+$0x0], $0xffff;
	[tilespmem:v8+s12+$0x0] =	vst.idx.msk $0xffff, v19  }
0x243: {  	v7 =	vshll.u32 v7, $0x3;
	v8 =	vand.u32 $0x7F, v25;
	v6 =	vand.u32 $0x400, v6;
	v19 =	vld.idx.msk [tilespmem:v24+s10+$0x0], $0xffff;
	[tilespmem:v9+s12+$0x0] =	vst.idx.msk $0xffff, v21  }
0x244: {  	v9 =	vand.u32 $0x7F, v29;
	v7 =	vand.u32 $0x400, v7;
	v6 =	vor.u32 v8, v6;
	v21 =	vld.idx.msk [tilespmem:v30+s10+$0x0], $0xffff;
	[tilespmem:v10+s12+$0x0] =	vst.idx.msk $0xffff, v22  }
0x245: {  	v8 =	vmov s18;
	v7 =	vor.u32 v9, v7;
	v6 =	vor.u32 v3, v6;
	v5 =	vld.idx.msk [tilespmem:v5+s10+$0x0], $0xffff;
	[tilespmem:v11+s12+$0x0] =	vst.idx.msk $0xffff, v14  }
0x246: {  	v9 =	vor.u32 s18, v0;
	v8 =	vshll.u32 v8, $0x3;
	v7 =	vor.u32 v3, v7;
	[tilespmem:v12+s12+$0x0] =	vst.idx.msk $0xffff, v15  }
0x247: {  	s19 =	sadd.s32 $0xF, s18;
	v10 =	vand.u32 $0x7F, v9;
	v8 =	vand.u32 $0x400, v8;
	[tilespmem:v13+s12+$0x0] =	vst.idx.msk $0xffff, v16  }
0x248: {  	v11 =	vadd.s32 v4, v9;
	v9 =	vmov s19;
	v8 =	vor.u32 v10, v8;
	[tilespmem:v20+s12+$0x0] =	vst.idx.msk $0xffff, v18  }
0x249: {  	v9 =	vshll.u32 v9, $0x3;
	v13 =	vor.u32 v3, v8;
	v8 =	vxor.u32 s19, v0;
	[tilespmem:v17+s12+$0x0] =	vst.idx.msk $0xffff, v19  }
0x24a: {  	s19 =	sadd.s32 $0xE, s18;
	v9 =	vand.u32 $0x400, v9;
	v12 =	vadd.s32 v4, v8;
	v8 =	vand.u32 $0x7F, v8;
	[tilespmem:v6+s12+$0x0] =	vst.idx.msk $0xffff, v21  }
0x24b: {  	v10 =	vxor.u32 s19, v0;
	v8 =	vor.u32 v8, v9;
	v6 =	vmov s19;
	[tilespmem:v7+s12+$0x0] =	vst.idx.msk $0xffff, v5  }
0x24c: {  	s19 =	sadd.s32 $0xD, s18;
	v21 =	vor.u32 v3, v8;
	v5 =	vand.u32 $0x7F, v10;
	v6 =	vshll.u32 v6, $0x3  }
0x24d: {  	v16 =	vadd.s32 v4, v10;
	v7 =	vmov s19;
	v6 =	vand.u32 $0x400, v6  }
0x24e: {  	v8 =	vxor.u32 s19, v0;
	v7 =	vshll.u32 v7, $0x3;
	v5 =	vor.u32 v5, v6  }
0x24f: {  	s19 =	sadd.s32 $0xC, s18;
	v6 =	vand.u32 $0x7F, v8;
	v7 =	vand.u32 $0x400, v7;
	v29 =	vor.u32 v3, v5  }
0x250: {  	v17 =	vadd.s32 v4, v8;
	v5 =	vmov s19;
	v6 =	vor.u32 v6, v7  }
0x251: {  	v7 =	vxor.u32 s19, v0;
	v8 =	vshll.u32 v5, $0x3;
	v5 =	vor.u32 v3, v6  }
0x252: {  	s19 =	sadd.s32 $0xB, s18;
	v18 =	vadd.s32 v4, v7;
	v6 =	vand.u32 $0x7F, v7;
	v7 =	vand.u32 $0x400, v8  }
0x253: {  	v9 =	vxor.u32 s19, v0;
	v8 =	vmov s19;
	v6 =	vor.u32 v6, v7  }
0x254: {  	s19 =	sadd.s32 $0xA, s18;
	v7 =	vand.u32 $0x7F, v9;
	v8 =	vshll.u32 v8, $0x3;
	v6 =	vor.u32 v3, v6  }
0x255: {  	v19 =	vadd.s32 v4, v9;
	v10 =	vmov s19;
	v8 =	vand.u32 $0x400, v8  }
0x256: {  	v9 =	vxor.u32 s19, v0;
	v10 =	vshll.u32 v10, $0x3;
	v7 =	vor.u32 v7, v8  }
0x257: {  	s19 =	sadd.s32 $0x9, s18;
	v8 =	vand.u32 $0x7F, v9;
	v10 =	vand.u32 $0x400, v10;
	v7 =	vor.u32 v3, v7  }
0x258: {  	v14 =	vmov s19;
	v22 =	vadd.s32 v4, v9;
	v8 =	vor.u32 v8, v10  }
0x259: {  	v9 =	vxor.u32 s19, v0;
	v10 =	vshll.u32 v14, $0x3;
	v8 =	vor.u32 v3, v8  }
0x25a: {  	s19 =	sadd.s32 $0x8, s18;
	v24 =	vadd.s32 v4, v9;
	v9 =	vand.u32 $0x7F, v9;
	v10 =	vand.u32 $0x400, v10  }
0x25b: {  	v14 =	vmov s19;
	v15 =	vxor.u32 s19, v0;
	v9 =	vor.u32 v9, v10  }
0x25c: {  	s19 =	sadd.s32 $0x7, s18;
	v14 =	vshll.u32 v14, $0x3;
	v10 =	vand.u32 $0x7F, v15;
	v9 =	vor.u32 v3, v9  }
0x25d: {  	v20 =	vmov s19;
	v30 =	vadd.s32 v4, v15;
	v14 =	vand.u32 $0x400, v14  }
0x25e: {  	v15 =	vxor.u32 s19, v0;
	v20 =	vshll.u32 v20, $0x3;
	v10 =	vor.u32 v10, v14  }
0x25f: {  	s19 =	sadd.s32 $0x6, s18;
	v23 =	vand.u32 $0x7F, v15;
	v20 =	vand.u32 $0x400, v20;
	v10 =	vor.u32 v3, v10  }
0x260: {  	v14 =	vadd.s32 v4, v15;
	v15 =	vor.u32 v23, v20;
	v25 =	vld.idx.msk [tilespmem:v11+s10+$0x0], $0xffff;
	v11 =	vmov s19  }
0x261: {  	v20 =	vxor.u32 s19, v0;
	v23 =	vshll.u32 v11, $0x3;
	v11 =	vor.u32 v3, v15;
	v26 =	vld.idx.msk [tilespmem:v12+s10+$0x0], $0xffff  }
0x262: {  	s19 =	sadd.s32 $0x5, s18;
	v15 =	vadd.s32 v4, v20;
	v12 =	vand.u32 $0x7F, v20;
	v20 =	vand.u32 $0x400, v23  }
0x263: {  	v27 =	vxor.u32 s19, v0;
	v23 =	vmov s19;
	v12 =	vor.u32 v12, v20;
	v31 =	vld.idx.msk [tilespmem:v16+s10+$0x0], $0xffff  }
0x264: {  	s19 =	sadd.s32 $0x4, s18;
	v28 =	vand.u32 $0x7F, v27;
	v23 =	vshll.u32 v23, $0x3;
	v12 =	vor.u32 v3, v12;
	v20 =	vld.idx.msk [tilespmem:v17+s10+$0x0], $0xffff  }
.Ltmp8:
0x265: {  	v32 =	vmov s19;
	v16 =	vadd.s32 v4, v27;
	v23 =	vand.u32 $0x400, v23;
	v17 =	vld.idx.msk [tilespmem:v18+s10+$0x0], $0xffff;
	(pc) =	sbr.rel @p0 .LBB2_19-.Ltmp8, $4  }
0x266: {  	v23 =	vor.u32 v28, v23;
	[tilespmem:v13+s12+$0x0] =	vst.idx.msk $0xffff, v25;
	v25 =	vxor.u32 s19, v0;
	v13 =	vshll.u32 v32, $0x3;
	v18 =	vld.idx.msk [tilespmem:v19+s10+$0x0], $0xffff  }
0x267: {  	s21 =	sadd.s32 $0x3, s18;
	v28 =	vand.u32 $0x7F, v25;
	v32 =	vand.u32 $0x400, v13;
	v13 =	vor.u32 v3, v23;
	v19 =	vld.idx.msk [tilespmem:v22+s10+$0x0], $0xffff;
	[tilespmem:v21+s12+$0x0] =	vst.idx.msk $0xffff, v26  }
0x268: {  	s20 =	sadd.s32 $0x2, s18;
	v27 =	vxor.u32 s21, v0;
	v23 =	vadd.s32 v4, v25;
	v26 =	vor.u32 v28, v32;
	v21 =	vld.idx.msk [tilespmem:v24+s10+$0x0], $0xffff  }
0x269: {  	s19 =	sadd.s32 $0x1, s18;
	s18 =	sadd.s32 $0x10, s18;
	v25 =	vxor.u32 s20, v0;
	v28 =	vmov s21;
	v24 =	vadd.s32 v4, v27;
	v22 =	vld.idx.msk [tilespmem:v30+s10+$0x0], $0xffff;
	[tilespmem:v29+s12+$0x0] =	vst.idx.msk $0xffff, v31  }
0x26a: {  	_ =	sdelay $0x3  }
0x26b: {  	v29 =	vxor.u32 s19, v0;
	v30 =	vadd.s32 v4, v25;
	v28 =	vshll.u32 v28, $0x3;
	[tilespmem:v5+s12+$0x0] =	vst.idx.msk $0xffff, v20;
	v5 =	vld.idx.msk [tilespmem:v14+s10+$0x0], $0xffff  }
0x26c: {  	v54 =	vand.u32 $0x7F, v27;
	[tilespmem:v6+s12+$0x0] =	vst.idx.msk $0xffff, v17;
	v6 =	vld.idx.msk [tilespmem:v15+s10+$0x0], $0xffff;
	v56 =	vmov s20;
	v57 =	vor.u32 v3, v26  }
0x26d: {  	v58 =	vmov s19;
	v59 =	vld.idx.msk [tilespmem:v23+s10+$0x0], $0xffff;
	v60 =	vand.u32 $0x7F, v25;
	v4 =	vadd.s32 v4, v29;
	[tilespmem:v7+s12+$0x0] =	vst.idx.msk $0xffff, v18  }
0x26e: {  	v55 =	vand.u32 $0x400, v28;
	v7 =	vld.idx.msk [tilespmem:v16+s10+$0x0], $0xffff;
	v15 =	vshll.u32 v56, $0x3;
	v16 =	vshll.u32 v58, $0x3;
	[tilespmem:v8+s12+$0x0] =	vst.idx.msk $0xffff, v19  }
0x26f: {  	v61 =	vld.idx.msk [tilespmem:v24+s10+$0x0], $0xffff;
	v62 =	vand.u32 $0x7F, v29;
	v14 =	vor.u32 v54, v55;
	v15 =	vand.u32 $0x400, v15;
	[tilespmem:v9+s12+$0x0] =	vst.idx.msk $0xffff, v21  }
0x270: {  	v16 =	vand.u32 $0x400, v16;
	v14 =	vor.u32 v3, v14;
	v15 =	vor.u32 v60, v15;
	[tilespmem:v10+s12+$0x0] =	vst.idx.msk $0xffff, v22  }
0x271: {  	v16 =	vor.u32 v62, v16;
	v15 =	vor.u32 v3, v15;
	v63 =	vld.idx.msk [tilespmem:v30+s10+$0x0], $0xffff;
	[tilespmem:v11+s12+$0x0] =	vst.idx.msk $0xffff, v5  }
0x272: {  	v5 =	vor.u32 v3, v16;
	[tilespmem:v12+s12+$0x0] =	vst.idx.msk $0xffff, v6;
	v4 =	vld.idx.msk [tilespmem:v4+s10+$0x0], $0xffff  }
0x273: {  	s18 =	sshll.u32 s17, $0x3;
	[tilespmem:v57+s12+$0x0] =	vst.idx.msk $0xffff, v59  }
0x274: {  	s18 =	sadd.s32 s5, s18;
	[tilespmem:v13+s12+$0x0] =	vst.idx.msk $0xffff, v7  }
0x275: {  	s18 =	smul.u32 $0x700, s18;
	[tilespmem:v14+s12+$0x0] =	vst.idx.msk $0xffff, v61  }
0x276: {  	[tilespmem:v15+s12+$0x0] =	vst.idx.msk $0xffff, v63  }
0x277: {  	s19 =	simm.s32 $0x0;
	s18 =	sadd.s32 s4, s18;
	[tilespmem:v5+s12+$0x0] =	vst.idx.msk $0xffff, v4  }
0x278: {  	[hbm4b:s18+s19] =	stream.linear.scatter [tilespmem:s12], [sflag:$0x1], $0xE000, $0x38;
	[tilespmem:$0x1EB00] =	vst v63  }
0x279: {  	s18 =	sshllo.u32 s17, $0x1  }
0x27a: {  	s31 =	smul.u32 $0x320, s18  }
0x27b: {  	_ =	swait.ge [sflag:s15], $0xE000  }
0x27c: {  	[sflag:s15] =	ssyncset.done $0x0;
	s20 =	sshra.s32 s31, $0x2  }
0x27d: {  	s21 =	simm.s32 $0x0;
	[sflag:s15] =	ssyncadd.s32 $0xFFFF2000;
	v4 =	vmov s20  }
.LBB2_21:
0x27e: {  	s22 =	sshll.u32 s21, $0x4  }
0x27f: {  	v5 =	vmov s22  }
0x280: {  	v5 =	vbroadcast v5, $0x0;
	_ =	sdelay $0x1  }
0x281: {  	v6 =	vor.u32 v0, v5  }
0x282: {  	v7 =	vmulhi.u32 $0x51EB851F, v6;
	_ =	sdelay $0x1  }
0x283: {  	v7 =	vshrl.u32 v7, $0x4  }
0x284: {  	v8 =	vmul.u32 $0xFFFFFFCE, v7  }
0x285: {  	v9 =	vsub.s32 v1, v5  }
0x286: {  	vm0 =	veq.s32 v5, v0;
	vm1 =	vne.s32 v8, v9  }
0x287: {  	vm0 =	vmand vm0, vm1  }
0x288: {  	v8 =	vld.idx.msk [tilespmem:v4+s22+$0x0 ss:$0x1], $0xffff;
	v5 =	vsel vm0, $0xFFFFFFFF, v2  }
0x289: {  	s28 =	simm.s32 $0xE;
	s23 =	simm.s32 $0xA;
	v5 =	vadd.s32 v5, v7  }
0x28a: {  	s31 =	simm.s32 $0xB;
	s24 =	simm.s32 $0x9;
	v10 =	vxor.u32 s28, v0;
	v12 =	vmov s23;
	v7 =	vmul.u32 $0xFFFFFFCE, v5  }
0x28b: {  	s25 =	simm.s32 $0x8;
	v11 =	vxor.u32 s31, v0;
	v16 =	vmov s24;
	v12 =	vshll.u32 v12, $0x3  }
0x28c: {  	v17 =	vxor.u32 s25, v0;
	v12 =	vand.u32 $0x400, v12;
	v7 =	vadd.s32 v6, v7  }
0x28d: {  	v6 =	vmul.u32 $0xC0, v8;
	v9 =	vshll.u32 v7, $0x8;
	v7 =	vshll.u32 v7, $0x7  }
0x28e: {  	v5 =	vmul.u32 $0x3800, v5;
	v8 =	vand.u32 $0xFFFFF800, v9;
	v7 =	vand.u32 $0x380, v7  }
0x28f: {  	v9 =	vor.u32 s19, v0;
	v18 =	vadd.s32 v6, v10;
	v21 =	vadd.s32 v6, v11  }
0x290: {  	v32 =	vadd.s32 v6, v17;
	v5 =	vadd.s32 v5, v8;
	v8 =	vmov s19  }
0x291: {  	v13 =	vadd.s32 v6, v9;
	v8 =	vshll.u32 v8, $0x3;
	v5 =	vor.u32 v5, v7  }
0x292: {  	v7 =	vand.u32 $0x7F, v9;
	v9 =	vmov s28;
	s28 =	simm.s32 $0x6;
	v8 =	vand.u32 $0x400, v8  }
0x293: {  	s26 =	simm.s32 $0xF;
	v9 =	vshll.u32 v9, $0x3;
	v27 =	vmov s28;
	v7 =	vor.u32 v8, v7  }
0x294: {  	v8 =	vmov s26;
	v9 =	vand.u32 $0x400, v9;
	v27 =	vshll.u32 v27, $0x3  }
0x295: {  	v15 =	vor.u32 v5, v7;
	v7 =	vxor.u32 s26, v0;
	v8 =	vshll.u32 v8, $0x3  }
0x296: {  	s26 =	simm.s32 $0x7;
	v14 =	vadd.s32 v6, v7;
	v7 =	vand.u32 $0x7F, v7;
	v8 =	vand.u32 $0x400, v8  }
0x297: {  	s29 =	simm.s32 $0xD;
	v22 =	vmov s26;
	v7 =	vor.u32 v8, v7;
	v8 =	vand.u32 $0x7F, v10  }
0x298: {  	v10 =	vxor.u32 s29, v0;
	v22 =	vshll.u32 v22, $0x3;
	v23 =	vor.u32 v5, v7  }
0x299: {  	v7 =	vmov s29;
	v8 =	vor.u32 v9, v8;
	v9 =	vand.u32 $0x7F, v10  }
0x29a: {  	s30 =	simm.s32 $0xC;
	v19 =	vadd.s32 v6, v10;
	v10 =	vmov s31;
	v22 =	vand.u32 $0x400, v22  }
0x29b: {  	s29 =	simm.s32 $0x5;
	v7 =	vshll.u32 v7, $0x3;
	v31 =	vor.u32 v5, v8;
	v8 =	vmov s30  }
0x29c: {  	v10 =	vshll.u32 v10, $0x3;
	v29 =	vxor.u32 s29, v0;
	v7 =	vand.u32 $0x400, v7  }
0x29d: {  	s31 =	simm.s32 $0x3;
	v8 =	vshll.u32 v8, $0x3;
	v10 =	vand.u32 $0x400, v10;
	v30 =	vand.u32 $0x7F, v29  }
0x29e: {  	v33 =	vld.idx.msk [tilespmem:v18+s10+$0x0], $0xffff;
	v18 =	vadd.s32 v6, v29;
	v29 =	vxor.u32 s31, v0;
	v7 =	vor.u32 v7, v9  }
0x29f: {  	v9 =	vxor.u32 s30, v0;
	v8 =	vand.u32 $0x400, v8;
	s30 =	simm.s32 $0x4;
	v7 =	vor.u32 v5, v7  }
0x2a0: {  	v20 =	vadd.s32 v6, v9;
	v9 =	vand.u32 $0x7F, v9;
	v34 =	vmov s30  }
0x2a1: {  	v8 =	vor.u32 v8, v9;
	v9 =	vand.u32 $0x7F, v11;
	v11 =	vxor.u32 s23, v0  }
0x2a2: {  	v8 =	vor.u32 v5, v8;
	v9 =	vor.u32 v10, v9;
	v10 =	vand.u32 $0x7F, v11  }
0x2a3: {  	v24 =	vadd.s32 v6, v11;
	v11 =	vxor.u32 s24, v0;
	v10 =	vor.u32 v12, v10  }
0x2a4: {  	v12 =	vshll.u32 v16, $0x3;
	v26 =	vadd.s32 v6, v11;
	v16 =	vmov s25  }
0x2a5: {  	v11 =	vand.u32 $0x7F, v11;
	v12 =	vand.u32 $0x400, v12;
	v16 =	vshll.u32 v16, $0x3  }
0x2a6: {  	v28 =	vld.idx.msk [tilespmem:v14+s10+$0x0], $0xffff;
	v11 =	vor.u32 v12, v11;
	v12 =	vand.u32 $0x7F, v17;
	v17 =	vxor.u32 s26, v0  }
0x2a7: {  	v9 =	vor.u32 v5, v9;
	v16 =	vand.u32 $0x400, v16;
	v25 =	vand.u32 $0x7F, v17  }
0x2a8: {  	v12 =	vor.u32 v16, v12;
	v16 =	vadd.s32 v6, v17;
	v17 =	vor.u32 v22, v25;
	v25 =	vld.idx.msk [tilespmem:v13+s10+$0x0], $0xffff  }
0x2a9: {  	v10 =	vor.u32 v5, v10;
	v11 =	vor.u32 v5, v11;
	v22 =	vxor.u32 s28, v0  }
0x2aa: {  	v12 =	vor.u32 v5, v12;
	v13 =	vor.u32 v5, v17;
	v17 =	vadd.s32 v6, v22  }
0x2ab: {  	[tilespmem:v23+s13+$0x0] =	vst.idx.msk $0xffff, v28;
	v14 =	vand.u32 $0x7F, v22;
	v22 =	vand.u32 $0x400, v27;
	v27 =	vmov s29;
	v23 =	vld.idx.msk [tilespmem:v26+s10+$0x0], $0xffff  }
0x2ac: {  	v26 =	vadd.s32 v6, v29;
	v14 =	vor.u32 v22, v14;
	v27 =	vshll.u32 v27, $0x3;
	v22 =	vld.idx.msk [tilespmem:v19+s10+$0x0], $0xffff  }
0x2ad: {  	v19 =	vld.idx.msk [tilespmem:v20+s10+$0x0], $0xffff;
	v14 =	vor.u32 v5, v14;
	v27 =	vand.u32 $0x400, v27;
	[tilespmem:v15+s13+$0x0] =	vst.idx.msk $0xffff, v25;
	v25 =	vxor.u32 s30, v0  }
0x2ae: {  	v20 =	vld.idx.msk [tilespmem:v21+s10+$0x0], $0xffff;
	v27 =	vor.u32 v27, v30;
	v15 =	vshll.u32 v34, $0x3;
	v30 =	vand.u32 $0x7F, v25  }
0x2af: {  	s24 =	simm.s32 $0x2;
	v21 =	vld.idx.msk [tilespmem:v24+s10+$0x0], $0xffff;
	v34 =	vand.u32 $0x400, v15;
	v15 =	vor.u32 v5, v27;
	v25 =	vadd.s32 v6, v25  }
0x2b0: {  	s22 =	simm.s32 $0x10;
	s23 =	simm.s32 $0x1;
	[tilespmem:v31+s13+$0x0] =	vst.idx.msk $0xffff, v33;
	v24 =	vld.idx.msk [tilespmem:v32+s10+$0x0], $0xffff;
	v27 =	vxor.u32 s24, v0;
	v28 =	vor.u32 v34, v30;
	v30 =	vmov s31  }
.LBB2_22:
0x2b1: {  	p0 =	slt.u32 s22, $0xB0;
	v31 =	vxor.u32 s23, v0;
	v32 =	vadd.s32 v6, v27;
	v30 =	vshll.u32 v30, $0x3;
	v16 =	vld.idx.msk [tilespmem:v16+s10+$0x0], $0xffff;
	[tilespmem:v7+s13+$0x0] =	vst.idx.msk $0xffff, v22  }
0x2b2: {  	v22 =	vand.u32 $0x7F, v29;
	v7 =	vadd.s32 v6, v31;
	v29 =	vand.u32 $0x400, v30;
	v17 =	vld.idx.msk [tilespmem:v17+s10+$0x0], $0xffff;
	[tilespmem:v8+s13+$0x0] =	vst.idx.msk $0xffff, v19  }
0x2b3: {  	v8 =	vmov s24;
	v19 =	vor.u32 v29, v22;
	v22 =	vor.u32 v5, v28;
	v18 =	vld.idx.msk [tilespmem:v18+s10+$0x0], $0xffff;
	[tilespmem:v9+s13+$0x0] =	vst.idx.msk $0xffff, v20  }
0x2b4: {  	v9 =	vmov s23;
	v8 =	vshll.u32 v8, $0x3;
	v19 =	vor.u32 v5, v19;
	v20 =	vld.idx.msk [tilespmem:v25+s10+$0x0], $0xffff;
	[tilespmem:v10+s13+$0x0] =	vst.idx.msk $0xffff, v21  }
0x2b5: {  	v9 =	vshll.u32 v9, $0x3;
	v10 =	vand.u32 $0x7F, v27;
	v8 =	vand.u32 $0x400, v8;
	v21 =	vld.idx.msk [tilespmem:v26+s10+$0x0], $0xffff;
	[tilespmem:v11+s13+$0x0] =	vst.idx.msk $0xffff, v23  }
0x2b6: {  	v11 =	vand.u32 $0x7F, v31;
	v9 =	vand.u32 $0x400, v9;
	v8 =	vor.u32 v8, v10;
	v23 =	vld.idx.msk [tilespmem:v32+s10+$0x0], $0xffff;
	[tilespmem:v12+s13+$0x0] =	vst.idx.msk $0xffff, v24  }
0x2b7: {  	v10 =	vmov s22;
	v9 =	vor.u32 v9, v11;
	v8 =	vor.u32 v5, v8;
	v7 =	vld.idx.msk [tilespmem:v7+s10+$0x0], $0xffff;
	[tilespmem:v13+s13+$0x0] =	vst.idx.msk $0xffff, v16  }
0x2b8: {  	v11 =	vor.u32 s22, v0;
	v10 =	vshll.u32 v10, $0x3;
	v9 =	vor.u32 v5, v9;
	[tilespmem:v14+s13+$0x0] =	vst.idx.msk $0xffff, v17  }
0x2b9: {  	s23 =	sadd.s32 $0xF, s22;
	v12 =	vand.u32 $0x7F, v11;
	v10 =	vand.u32 $0x400, v10;
	[tilespmem:v15+s13+$0x0] =	vst.idx.msk $0xffff, v18  }
0x2ba: {  	v13 =	vadd.s32 v6, v11;
	v11 =	vmov s23;
	v10 =	vor.u32 v10, v12;
	[tilespmem:v22+s13+$0x0] =	vst.idx.msk $0xffff, v20  }
0x2bb: {  	v11 =	vshll.u32 v11, $0x3;
	v15 =	vor.u32 v5, v10;
	v10 =	vxor.u32 s23, v0;
	[tilespmem:v19+s13+$0x0] =	vst.idx.msk $0xffff, v21  }
0x2bc: {  	s23 =	sadd.s32 $0xE, s22;
	v11 =	vand.u32 $0x400, v11;
	v14 =	vadd.s32 v6, v10;
	v10 =	vand.u32 $0x7F, v10;
	[tilespmem:v8+s13+$0x0] =	vst.idx.msk $0xffff, v23  }
0x2bd: {  	v12 =	vxor.u32 s23, v0;
	v10 =	vor.u32 v11, v10;
	v8 =	vmov s23;
	[tilespmem:v9+s13+$0x0] =	vst.idx.msk $0xffff, v7  }
0x2be: {  	s23 =	sadd.s32 $0xD, s22;
	v23 =	vor.u32 v5, v10;
	v7 =	vand.u32 $0x7F, v12;
	v8 =	vshll.u32 v8, $0x3  }
0x2bf: {  	v18 =	vadd.s32 v6, v12;
	v9 =	vmov s23;
	v8 =	vand.u32 $0x400, v8  }
0x2c0: {  	v10 =	vxor.u32 s23, v0;
	v9 =	vshll.u32 v9, $0x3;
	v7 =	vor.u32 v8, v7  }
0x2c1: {  	s23 =	sadd.s32 $0xC, s22;
	v8 =	vand.u32 $0x7F, v10;
	v9 =	vand.u32 $0x400, v9;
	v31 =	vor.u32 v5, v7  }
0x2c2: {  	v19 =	vadd.s32 v6, v10;
	v7 =	vmov s23;
	v8 =	vor.u32 v9, v8  }
0x2c3: {  	v9 =	vxor.u32 s23, v0;
	v10 =	vshll.u32 v7, $0x3;
	v7 =	vor.u32 v5, v8  }
0x2c4: {  	s23 =	sadd.s32 $0xB, s22;
	v20 =	vadd.s32 v6, v9;
	v8 =	vand.u32 $0x7F, v9;
	v9 =	vand.u32 $0x400, v10  }
0x2c5: {  	v11 =	vxor.u32 s23, v0;
	v10 =	vmov s23;
	v8 =	vor.u32 v9, v8  }
0x2c6: {  	s23 =	sadd.s32 $0xA, s22;
	v9 =	vand.u32 $0x7F, v11;
	v10 =	vshll.u32 v10, $0x3;
	v8 =	vor.u32 v5, v8  }
0x2c7: {  	v21 =	vadd.s32 v6, v11;
	v12 =	vmov s23;
	v10 =	vand.u32 $0x400, v10  }
0x2c8: {  	v11 =	vxor.u32 s23, v0;
	v12 =	vshll.u32 v12, $0x3;
	v9 =	vor.u32 v10, v9  }
0x2c9: {  	s23 =	sadd.s32 $0x9, s22;
	v10 =	vand.u32 $0x7F, v11;
	v12 =	vand.u32 $0x400, v12;
	v9 =	vor.u32 v5, v9  }
0x2ca: {  	v16 =	vmov s23;
	v24 =	vadd.s32 v6, v11;
	v10 =	vor.u32 v12, v10  }
0x2cb: {  	v11 =	vxor.u32 s23, v0;
	v12 =	vshll.u32 v16, $0x3;
	v10 =	vor.u32 v5, v10  }
0x2cc: {  	s23 =	sadd.s32 $0x8, s22;
	v26 =	vadd.s32 v6, v11;
	v11 =	vand.u32 $0x7F, v11;
	v12 =	vand.u32 $0x400, v12  }
0x2cd: {  	v16 =	vmov s23;
	v17 =	vxor.u32 s23, v0;
	v11 =	vor.u32 v12, v11  }
0x2ce: {  	s23 =	sadd.s32 $0x7, s22;
	v16 =	vshll.u32 v16, $0x3;
	v12 =	vand.u32 $0x7F, v17;
	v11 =	vor.u32 v5, v11  }
0x2cf: {  	v22 =	vmov s23;
	v32 =	vadd.s32 v6, v17;
	v16 =	vand.u32 $0x400, v16  }
0x2d0: {  	v17 =	vxor.u32 s23, v0;
	v22 =	vshll.u32 v22, $0x3;
	v12 =	vor.u32 v16, v12  }
0x2d1: {  	s23 =	sadd.s32 $0x6, s22;
	v25 =	vand.u32 $0x7F, v17;
	v22 =	vand.u32 $0x400, v22;
	v12 =	vor.u32 v5, v12  }
0x2d2: {  	v16 =	vadd.s32 v6, v17;
	v17 =	vor.u32 v22, v25;
	v27 =	vld.idx.msk [tilespmem:v13+s10+$0x0], $0xffff;
	v13 =	vmov s23  }
0x2d3: {  	v22 =	vxor.u32 s23, v0;
	v25 =	vshll.u32 v13, $0x3;
	v13 =	vor.u32 v5, v17;
	v28 =	vld.idx.msk [tilespmem:v14+s10+$0x0], $0xffff  }
0x2d4: {  	s23 =	sadd.s32 $0x5, s22;
	v17 =	vadd.s32 v6, v22;
	v14 =	vand.u32 $0x7F, v22;
	v22 =	vand.u32 $0x400, v25  }
0x2d5: {  	v29 =	vxor.u32 s23, v0;
	v25 =	vmov s23;
	v14 =	vor.u32 v22, v14;
	v33 =	vld.idx.msk [tilespmem:v18+s10+$0x0], $0xffff  }
0x2d6: {  	s23 =	sadd.s32 $0x4, s22;
	v30 =	vand.u32 $0x7F, v29;
	v25 =	vshll.u32 v25, $0x3;
	v14 =	vor.u32 v5, v14;
	v22 =	vld.idx.msk [tilespmem:v19+s10+$0x0], $0xffff  }
.Ltmp9:
0x2d7: {  	v34 =	vmov s23;
	v18 =	vadd.s32 v6, v29;
	v25 =	vand.u32 $0x400, v25;
	v19 =	vld.idx.msk [tilespmem:v20+s10+$0x0], $0xffff;
	(pc) =	sbr.rel @p0 .LBB2_22-.Ltmp9, $4  }
0x2d8: {  	v25 =	vor.u32 v25, v30;
	[tilespmem:v15+s13+$0x0] =	vst.idx.msk $0xffff, v27;
	v27 =	vxor.u32 s23, v0;
	v15 =	vshll.u32 v34, $0x3;
	v20 =	vld.idx.msk [tilespmem:v21+s10+$0x0], $0xffff  }
0x2d9: {  	s25 =	sadd.s32 $0x3, s22;
	v30 =	vand.u32 $0x7F, v27;
	v34 =	vand.u32 $0x400, v15;
	v15 =	vor.u32 v5, v25;
	v21 =	vld.idx.msk [tilespmem:v24+s10+$0x0], $0xffff;
	[tilespmem:v23+s13+$0x0] =	vst.idx.msk $0xffff, v28  }
0x2da: {  	s24 =	sadd.s32 $0x2, s22;
	v29 =	vxor.u32 s25, v0;
	v25 =	vadd.s32 v6, v27;
	v28 =	vor.u32 v34, v30;
	v23 =	vld.idx.msk [tilespmem:v26+s10+$0x0], $0xffff  }
0x2db: {  	s23 =	sadd.s32 $0x1, s22;
	s22 =	sadd.s32 $0x10, s22;
	v27 =	vxor.u32 s24, v0;
	v30 =	vmov s25;
	v26 =	vadd.s32 v6, v29;
	v24 =	vld.idx.msk [tilespmem:v32+s10+$0x0], $0xffff;
	[tilespmem:v31+s13+$0x0] =	vst.idx.msk $0xffff, v33  }
0x2dc: {  	_ =	sdelay $0x3  }
0x2dd: {  	v31 =	vxor.u32 s23, v0;
	v32 =	vadd.s32 v6, v27;
	v30 =	vshll.u32 v30, $0x3;
	[tilespmem:v7+s13+$0x0] =	vst.idx.msk $0xffff, v22;
	v7 =	vld.idx.msk [tilespmem:v16+s10+$0x0], $0xffff  }
0x2de: {  	v52 =	vand.u32 $0x7F, v29;
	[tilespmem:v8+s13+$0x0] =	vst.idx.msk $0xffff, v19;
	v54 =	vld.idx.msk [tilespmem:v17+s10+$0x0], $0xffff;
	v55 =	vmov s24;
	v56 =	vor.u32 v5, v28  }
0x2df: {  	v57 =	vld.idx.msk [tilespmem:v18+s10+$0x0], $0xffff;
	v58 =	vmov s23;
	v60 =	vand.u32 $0x7F, v27;
	v6 =	vadd.s32 v6, v31;
	[tilespmem:v9+s13+$0x0] =	vst.idx.msk $0xffff, v20  }
0x2e0: {  	v59 =	vld.idx.msk [tilespmem:v25+s10+$0x0], $0xffff;
	v53 =	vand.u32 $0x400, v30;
	v17 =	vshll.u32 v55, $0x3;
	v18 =	vshll.u32 v58, $0x3;
	[tilespmem:v10+s13+$0x0] =	vst.idx.msk $0xffff, v21  }
0x2e1: {  	v61 =	vld.idx.msk [tilespmem:v26+s10+$0x0], $0xffff;
	v62 =	vand.u32 $0x7F, v31;
	v16 =	vor.u32 v53, v52;
	v17 =	vand.u32 $0x400, v17;
	[tilespmem:v11+s13+$0x0] =	vst.idx.msk $0xffff, v23  }
0x2e2: {  	v18 =	vand.u32 $0x400, v18;
	v16 =	vor.u32 v5, v16;
	v17 =	vor.u32 v17, v60;
	[tilespmem:v12+s13+$0x0] =	vst.idx.msk $0xffff, v24  }
0x2e3: {  	s21 =	sadd.s32 $0x1, s21;
	v18 =	vor.u32 v18, v62;
	v17 =	vor.u32 v5, v17;
	v63 =	vld.idx.msk [tilespmem:v32+s10+$0x0], $0xffff;
	[tilespmem:v13+s13+$0x0] =	vst.idx.msk $0xffff, v7  }
0x2e4: {  	p0 =	sne.s32 s21, $0xC;
	v5 =	vor.u32 v5, v18;
	[tilespmem:v14+s13+$0x0] =	vst.idx.msk $0xffff, v54;
	v6 =	vld.idx.msk [tilespmem:v6+s10+$0x0], $0xffff  }
.Ltmp10:
0x2e5: {  	[tilespmem:v15+s13+$0x0] =	vst.idx.msk $0xffff, v57;
	(pc) =	sbr.rel @p0 .LBB2_21-.Ltmp10, $4  }
0x2e6: {  	[tilespmem:v56+s13+$0x0] =	vst.idx.msk $0xffff, v59  }
0x2e7: {  	[tilespmem:v16+s13+$0x0] =	vst.idx.msk $0xffff, v61  }
0x2e8: {  	[tilespmem:v17+s13+$0x0] =	vst.idx.msk $0xffff, v63  }
0x2e9: {  	[tilespmem:v5+s13+$0x0] =	vst.idx.msk $0xffff, v6  }
0x2ea: {  	s19 =	simm.s32 $0x0;
	s31 =	simm.s32 $0xE  }
0x2eb: {  	s22 =	simm.s32 $0xB;
	s23 =	simm.s32 $0xA;
	s24 =	simm.s32 $0x9;
	v5 =	vmov s19;
	v6 =	vor.u32 s19, v0;
	v8 =	vxor.u32 s31, v0  }
0x2ec: {  	v4 =	vld [tilespmem:s20+$0xB8];
	s25 =	simm.s32 $0x8;
	s26 =	simm.s32 $0x7;
	s28 =	simm.s32 $0x6;
	v9 =	vxor.u32 s22, v0;
	v10 =	vmov s23;
	v14 =	vmov s24  }
0x2ed: {  	s29 =	simm.s32 $0x5;
	v15 =	vxor.u32 s25, v0;
	v20 =	vmov s26;
	v25 =	vmov s28  }
0x2ee: {  	v27 =	vxor.u32 s29, v0;
	v5 =	vshll.u32 v5, $0x3;
	v7 =	vand.u32 $0x7F, v6  }
0x2ef: {  	v10 =	vshll.u32 v10, $0x3;
	v20 =	vshll.u32 v20, $0x3;
	v25 =	vshll.u32 v25, $0x3  }
0x2f0: {  	v28 =	vand.u32 $0x7F, v27;
	v5 =	vand.u32 $0x400, v5;
	v10 =	vand.u32 $0x400, v10  }
0x2f1: {  	v5 =	vor.u32 v7, v5;
	v7 =	vmov s31;
	v4 =	vmul.u32 $0xC0, v4  }
0x2f2: {  	s30 =	simm.s32 $0xF;
	v20 =	vand.u32 $0x400, v20;
	v13 =	vor.u32 v3, v5;
	v7 =	vshll.u32 v7, $0x3  }
0x2f3: {  	v5 =	vxor.u32 s30, v0;
	v7 =	vand.u32 $0x400, v7;
	v11 =	vadd.s32 v4, v6  }
0x2f4: {  	v6 =	vmov s30;
	v12 =	vadd.s32 v4, v5;
	v5 =	vand.u32 $0x7F, v5  }
0x2f5: {  	v16 =	vadd.s32 v4, v8;
	v19 =	vadd.s32 v4, v9;
	s30 =	simm.s32 $0x4;
	v6 =	vshll.u32 v6, $0x3  }
0x2f6: {  	s20 =	simm.s32 $0xD;
	v30 =	vadd.s32 v4, v15;
	v32 =	vmov s30;
	v6 =	vand.u32 $0x400, v6  }
0x2f7: {  	v5 =	vor.u32 v5, v6;
	v6 =	vand.u32 $0x7F, v8;
	v8 =	vxor.u32 s20, v0  }
0x2f8: {  	v21 =	vor.u32 v3, v5;
	v5 =	vmov s20;
	v6 =	vor.u32 v6, v7  }
0x2f9: {  	s21 =	simm.s32 $0xC;
	v7 =	vand.u32 $0x7F, v8;
	v17 =	vadd.s32 v4, v8;
	v8 =	vmov s22  }
0x2fa: {  	s31 =	simm.s32 $0x3;
	v5 =	vshll.u32 v5, $0x3;
	v29 =	vor.u32 v3, v6;
	v6 =	vmov s21  }
0x2fb: {  	v8 =	vshll.u32 v8, $0x3;
	v31 =	vld.idx.msk [tilespmem:v16+s10+$0x0], $0xffff;
	v16 =	vadd.s32 v4, v27;
	v27 =	vxor.u32 s31, v0  }
0x2fc: {  	v5 =	vand.u32 $0x400, v5;
	v6 =	vshll.u32 v6, $0x3;
	v8 =	vand.u32 $0x400, v8  }
0x2fd: {  	v5 =	vor.u32 v7, v5;
	v7 =	vxor.u32 s21, v0;
	v6 =	vand.u32 $0x400, v6  }
0x2fe: {  	v5 =	vor.u32 v3, v5;
	v18 =	vadd.s32 v4, v7;
	v7 =	vand.u32 $0x7F, v7  }
0x2ff: {  	v6 =	vor.u32 v7, v6;
	v7 =	vand.u32 $0x7F, v9;
	v9 =	vxor.u32 s23, v0  }
0x300: {  	v6 =	vor.u32 v3, v6;
	v7 =	vor.u32 v7, v8;
	v8 =	vand.u32 $0x7F, v9  }
0x301: {  	v22 =	vadd.s32 v4, v9;
	v9 =	vxor.u32 s24, v0;
	v8 =	vor.u32 v8, v10  }
0x302: {  	v10 =	vshll.u32 v14, $0x3;
	v24 =	vadd.s32 v4, v9;
	v14 =	vmov s25  }
0x303: {  	v9 =	vand.u32 $0x7F, v9;
	v10 =	vand.u32 $0x400, v10;
	v14 =	vshll.u32 v14, $0x3  }
0x304: {  	v26 =	vld.idx.msk [tilespmem:v12+s10+$0x0], $0xffff;
	v9 =	vor.u32 v9, v10;
	v10 =	vand.u32 $0x7F, v15;
	v15 =	vxor.u32 s26, v0  }
0x305: {  	v7 =	vor.u32 v3, v7;
	v14 =	vand.u32 $0x400, v14;
	v23 =	vand.u32 $0x7F, v15  }
0x306: {  	v10 =	vor.u32 v10, v14;
	v14 =	vadd.s32 v4, v15;
	v15 =	vor.u32 v23, v20;
	v23 =	vld.idx.msk [tilespmem:v11+s10+$0x0], $0xffff  }
0x307: {  	v8 =	vor.u32 v3, v8;
	v9 =	vor.u32 v3, v9;
	v20 =	vxor.u32 s28, v0  }
0x308: {  	v10 =	vor.u32 v3, v10;
	v11 =	vor.u32 v3, v15;
	v15 =	vadd.s32 v4, v20  }
0x309: {  	[tilespmem:v21+s13+$0x0] =	vst.idx.msk $0xffff, v26;
	v12 =	vand.u32 $0x7F, v20;
	v20 =	vand.u32 $0x400, v25;
	v25 =	vmov s29;
	v21 =	vld.idx.msk [tilespmem:v24+s10+$0x0], $0xffff  }
0x30a: {  	v24 =	vadd.s32 v4, v27;
	v12 =	vor.u32 v12, v20;
	v25 =	vshll.u32 v25, $0x3;
	v20 =	vld.idx.msk [tilespmem:v17+s10+$0x0], $0xffff  }
0x30b: {  	v17 =	vld.idx.msk [tilespmem:v18+s10+$0x0], $0xffff;
	v12 =	vor.u32 v3, v12;
	v25 =	vand.u32 $0x400, v25;
	[tilespmem:v13+s13+$0x0] =	vst.idx.msk $0xffff, v23;
	v23 =	vxor.u32 s30, v0  }
0x30c: {  	v18 =	vld.idx.msk [tilespmem:v19+s10+$0x0], $0xffff;
	v25 =	vor.u32 v28, v25;
	v13 =	vshll.u32 v32, $0x3;
	v28 =	vand.u32 $0x7F, v23  }
0x30d: {  	s21 =	simm.s32 $0x2;
	v19 =	vld.idx.msk [tilespmem:v22+s10+$0x0], $0xffff;
	v32 =	vand.u32 $0x400, v13;
	v13 =	vor.u32 v3, v25;
	v23 =	vadd.s32 v4, v23  }
0x30e: {  	s19 =	simm.s32 $0x10;
	s20 =	simm.s32 $0x1;
	[tilespmem:v29+s13+$0x0] =	vst.idx.msk $0xffff, v31;
	v22 =	vld.idx.msk [tilespmem:v30+s10+$0x0], $0xffff;
	v25 =	vxor.u32 s21, v0;
	v26 =	vor.u32 v28, v32;
	v28 =	vmov s31  }
.LBB2_25:
0x30f: {  	p0 =	slt.u32 s19, $0xB0;
	v29 =	vxor.u32 s20, v0;
	v30 =	vadd.s32 v4, v25;
	v28 =	vshll.u32 v28, $0x3;
	v14 =	vld.idx.msk [tilespmem:v14+s10+$0x0], $0xffff;
	[tilespmem:v5+s13+$0x0] =	vst.idx.msk $0xffff, v20  }
0x310: {  	v20 =	vand.u32 $0x7F, v27;
	v5 =	vadd.s32 v4, v29;
	v27 =	vand.u32 $0x400, v28;
	v15 =	vld.idx.msk [tilespmem:v15+s10+$0x0], $0xffff;
	[tilespmem:v6+s13+$0x0] =	vst.idx.msk $0xffff, v17  }
0x311: {  	v6 =	vmov s21;
	v17 =	vor.u32 v20, v27;
	v20 =	vor.u32 v3, v26;
	v16 =	vld.idx.msk [tilespmem:v16+s10+$0x0], $0xffff;
	[tilespmem:v7+s13+$0x0] =	vst.idx.msk $0xffff, v18  }
0x312: {  	v7 =	vmov s20;
	v6 =	vshll.u32 v6, $0x3;
	v17 =	vor.u32 v3, v17;
	v18 =	vld.idx.msk [tilespmem:v23+s10+$0x0], $0xffff;
	[tilespmem:v8+s13+$0x0] =	vst.idx.msk $0xffff, v19  }
0x313: {  	v7 =	vshll.u32 v7, $0x3;
	v8 =	vand.u32 $0x7F, v25;
	v6 =	vand.u32 $0x400, v6;
	v19 =	vld.idx.msk [tilespmem:v24+s10+$0x0], $0xffff;
	[tilespmem:v9+s13+$0x0] =	vst.idx.msk $0xffff, v21  }
0x314: {  	v9 =	vand.u32 $0x7F, v29;
	v7 =	vand.u32 $0x400, v7;
	v6 =	vor.u32 v8, v6;
	v21 =	vld.idx.msk [tilespmem:v30+s10+$0x0], $0xffff;
	[tilespmem:v10+s13+$0x0] =	vst.idx.msk $0xffff, v22  }
0x315: {  	v8 =	vmov s19;
	v7 =	vor.u32 v9, v7;
	v6 =	vor.u32 v3, v6;
	v5 =	vld.idx.msk [tilespmem:v5+s10+$0x0], $0xffff;
	[tilespmem:v11+s13+$0x0] =	vst.idx.msk $0xffff, v14  }
0x316: {  	v9 =	vor.u32 s19, v0;
	v8 =	vshll.u32 v8, $0x3;
	v7 =	vor.u32 v3, v7;
	[tilespmem:v12+s13+$0x0] =	vst.idx.msk $0xffff, v15  }
0x317: {  	s20 =	sadd.s32 $0xF, s19;
	v10 =	vand.u32 $0x7F, v9;
	v8 =	vand.u32 $0x400, v8;
	[tilespmem:v13+s13+$0x0] =	vst.idx.msk $0xffff, v16  }
0x318: {  	v11 =	vadd.s32 v4, v9;
	v9 =	vmov s20;
	v8 =	vor.u32 v10, v8;
	[tilespmem:v20+s13+$0x0] =	vst.idx.msk $0xffff, v18  }
0x319: {  	v9 =	vshll.u32 v9, $0x3;
	v13 =	vor.u32 v3, v8;
	v8 =	vxor.u32 s20, v0;
	[tilespmem:v17+s13+$0x0] =	vst.idx.msk $0xffff, v19  }
0x31a: {  	s20 =	sadd.s32 $0xE, s19;
	v9 =	vand.u32 $0x400, v9;
	v12 =	vadd.s32 v4, v8;
	v8 =	vand.u32 $0x7F, v8;
	[tilespmem:v6+s13+$0x0] =	vst.idx.msk $0xffff, v21  }
0x31b: {  	v10 =	vxor.u32 s20, v0;
	v8 =	vor.u32 v8, v9;
	v6 =	vmov s20;
	[tilespmem:v7+s13+$0x0] =	vst.idx.msk $0xffff, v5  }
0x31c: {  	s20 =	sadd.s32 $0xD, s19;
	v21 =	vor.u32 v3, v8;
	v5 =	vand.u32 $0x7F, v10;
	v6 =	vshll.u32 v6, $0x3  }
0x31d: {  	v16 =	vadd.s32 v4, v10;
	v7 =	vmov s20;
	v6 =	vand.u32 $0x400, v6  }
0x31e: {  	v8 =	vxor.u32 s20, v0;
	v7 =	vshll.u32 v7, $0x3;
	v5 =	vor.u32 v5, v6  }
0x31f: {  	s20 =	sadd.s32 $0xC, s19;
	v6 =	vand.u32 $0x7F, v8;
	v7 =	vand.u32 $0x400, v7;
	v29 =	vor.u32 v3, v5  }
0x320: {  	v17 =	vadd.s32 v4, v8;
	v5 =	vmov s20;
	v6 =	vor.u32 v6, v7  }
0x321: {  	v7 =	vxor.u32 s20, v0;
	v8 =	vshll.u32 v5, $0x3;
	v5 =	vor.u32 v3, v6  }
0x322: {  	s20 =	sadd.s32 $0xB, s19;
	v18 =	vadd.s32 v4, v7;
	v6 =	vand.u32 $0x7F, v7;
	v7 =	vand.u32 $0x400, v8  }
0x323: {  	v9 =	vxor.u32 s20, v0;
	v8 =	vmov s20;
	v6 =	vor.u32 v6, v7  }
0x324: {  	s20 =	sadd.s32 $0xA, s19;
	v7 =	vand.u32 $0x7F, v9;
	v8 =	vshll.u32 v8, $0x3;
	v6 =	vor.u32 v3, v6  }
0x325: {  	v19 =	vadd.s32 v4, v9;
	v10 =	vmov s20;
	v8 =	vand.u32 $0x400, v8  }
0x326: {  	v9 =	vxor.u32 s20, v0;
	v10 =	vshll.u32 v10, $0x3;
	v7 =	vor.u32 v7, v8  }
0x327: {  	s20 =	sadd.s32 $0x9, s19;
	v8 =	vand.u32 $0x7F, v9;
	v10 =	vand.u32 $0x400, v10;
	v7 =	vor.u32 v3, v7  }
0x328: {  	v14 =	vmov s20;
	v22 =	vadd.s32 v4, v9;
	v8 =	vor.u32 v8, v10  }
0x329: {  	v9 =	vxor.u32 s20, v0;
	v10 =	vshll.u32 v14, $0x3;
	v8 =	vor.u32 v3, v8  }
0x32a: {  	s20 =	sadd.s32 $0x8, s19;
	v24 =	vadd.s32 v4, v9;
	v9 =	vand.u32 $0x7F, v9;
	v10 =	vand.u32 $0x400, v10  }
0x32b: {  	v14 =	vmov s20;
	v15 =	vxor.u32 s20, v0;
	v9 =	vor.u32 v9, v10  }
0x32c: {  	s20 =	sadd.s32 $0x7, s19;
	v14 =	vshll.u32 v14, $0x3;
	v10 =	vand.u32 $0x7F, v15;
	v9 =	vor.u32 v3, v9  }
0x32d: {  	v20 =	vmov s20;
	v30 =	vadd.s32 v4, v15;
	v14 =	vand.u32 $0x400, v14  }
0x32e: {  	v15 =	vxor.u32 s20, v0;
	v20 =	vshll.u32 v20, $0x3;
	v10 =	vor.u32 v10, v14  }
0x32f: {  	s20 =	sadd.s32 $0x6, s19;
	v23 =	vand.u32 $0x7F, v15;
	v20 =	vand.u32 $0x400, v20;
	v10 =	vor.u32 v3, v10  }
0x330: {  	v14 =	vadd.s32 v4, v15;
	v15 =	vor.u32 v23, v20;
	v25 =	vld.idx.msk [tilespmem:v11+s10+$0x0], $0xffff;
	v11 =	vmov s20  }
0x331: {  	v20 =	vxor.u32 s20, v0;
	v23 =	vshll.u32 v11, $0x3;
	v11 =	vor.u32 v3, v15;
	v26 =	vld.idx.msk [tilespmem:v12+s10+$0x0], $0xffff  }
0x332: {  	s20 =	sadd.s32 $0x5, s19;
	v15 =	vadd.s32 v4, v20;
	v12 =	vand.u32 $0x7F, v20;
	v20 =	vand.u32 $0x400, v23  }
0x333: {  	v27 =	vxor.u32 s20, v0;
	v23 =	vmov s20;
	v12 =	vor.u32 v12, v20;
	v31 =	vld.idx.msk [tilespmem:v16+s10+$0x0], $0xffff  }
0x334: {  	s20 =	sadd.s32 $0x4, s19;
	v28 =	vand.u32 $0x7F, v27;
	v23 =	vshll.u32 v23, $0x3;
	v12 =	vor.u32 v3, v12;
	v20 =	vld.idx.msk [tilespmem:v17+s10+$0x0], $0xffff  }
.Ltmp11:
0x335: {  	v32 =	vmov s20;
	v16 =	vadd.s32 v4, v27;
	v23 =	vand.u32 $0x400, v23;
	v17 =	vld.idx.msk [tilespmem:v18+s10+$0x0], $0xffff;
	(pc) =	sbr.rel @p0 .LBB2_25-.Ltmp11, $4  }
0x336: {  	v23 =	vor.u32 v28, v23;
	[tilespmem:v13+s13+$0x0] =	vst.idx.msk $0xffff, v25;
	v25 =	vxor.u32 s20, v0;
	v13 =	vshll.u32 v32, $0x3;
	v18 =	vld.idx.msk [tilespmem:v19+s10+$0x0], $0xffff  }
0x337: {  	s22 =	sadd.s32 $0x3, s19;
	v28 =	vand.u32 $0x7F, v25;
	v32 =	vand.u32 $0x400, v13;
	v13 =	vor.u32 v3, v23;
	v19 =	vld.idx.msk [tilespmem:v22+s10+$0x0], $0xffff;
	[tilespmem:v21+s13+$0x0] =	vst.idx.msk $0xffff, v26  }
0x338: {  	s21 =	sadd.s32 $0x2, s19;
	v27 =	vxor.u32 s22, v0;
	v23 =	vadd.s32 v4, v25;
	v26 =	vor.u32 v28, v32;
	v21 =	vld.idx.msk [tilespmem:v24+s10+$0x0], $0xffff  }
0x339: {  	s20 =	sadd.s32 $0x1, s19;
	s19 =	sadd.s32 $0x10, s19;
	v25 =	vxor.u32 s21, v0;
	v28 =	vmov s22;
	v24 =	vadd.s32 v4, v27;
	v22 =	vld.idx.msk [tilespmem:v30+s10+$0x0], $0xffff;
	[tilespmem:v29+s13+$0x0] =	vst.idx.msk $0xffff, v31  }
0x33a: {  	_ =	sdelay $0x3  }
0x33b: {  	v29 =	vxor.u32 s20, v0;
	v30 =	vadd.s32 v4, v25;
	v28 =	vshll.u32 v28, $0x3;
	[tilespmem:v5+s13+$0x0] =	vst.idx.msk $0xffff, v20;
	v5 =	vld.idx.msk [tilespmem:v14+s10+$0x0], $0xffff  }
0x33c: {  	v52 =	vand.u32 $0x7F, v27;
	[tilespmem:v6+s13+$0x0] =	vst.idx.msk $0xffff, v17;
	v54 =	vld.idx.msk [tilespmem:v15+s10+$0x0], $0xffff;
	v55 =	vmov s21;
	v56 =	vor.u32 v3, v26  }
0x33d: {  	v57 =	vld.idx.msk [tilespmem:v16+s10+$0x0], $0xffff;
	v58 =	vmov s20;
	v60 =	vand.u32 $0x7F, v25;
	v4 =	vadd.s32 v4, v29;
	[tilespmem:v7+s13+$0x0] =	vst.idx.msk $0xffff, v18  }
0x33e: {  	v59 =	vld.idx.msk [tilespmem:v23+s10+$0x0], $0xffff;
	v53 =	vand.u32 $0x400, v28;
	v15 =	vshll.u32 v55, $0x3;
	v16 =	vshll.u32 v58, $0x3;
	[tilespmem:v8+s13+$0x0] =	vst.idx.msk $0xffff, v19  }
0x33f: {  	v61 =	vld.idx.msk [tilespmem:v24+s10+$0x0], $0xffff;
	v62 =	vand.u32 $0x7F, v29;
	v14 =	vor.u32 v52, v53;
	v15 =	vand.u32 $0x400, v15;
	[tilespmem:v9+s13+$0x0] =	vst.idx.msk $0xffff, v21  }
0x340: {  	v16 =	vand.u32 $0x400, v16;
	v14 =	vor.u32 v3, v14;
	v15 =	vor.u32 v60, v15;
	[tilespmem:v10+s13+$0x0] =	vst.idx.msk $0xffff, v22  }
0x341: {  	v16 =	vor.u32 v62, v16;
	v15 =	vor.u32 v3, v15;
	v63 =	vld.idx.msk [tilespmem:v30+s10+$0x0], $0xffff;
	[tilespmem:v11+s13+$0x0] =	vst.idx.msk $0xffff, v5  }
0x342: {  	s17 =	sadd.s32 $0x1, s17;
	v5 =	vor.u32 v3, v16;
	[tilespmem:v12+s13+$0x0] =	vst.idx.msk $0xffff, v54;
	v4 =	vld.idx.msk [tilespmem:v4+s10+$0x0], $0xffff  }
0x343: {  	s18 =	sshll.u32 s18, $0x2;
	p0 =	sne.s32 s17, $0x10;
	[tilespmem:v13+s13+$0x0] =	vst.idx.msk $0xffff, v57  }
.Ltmp12:
0x344: {  	s18 =	sadd.s32 s5, s18;
	[tilespmem:v56+s13+$0x0] =	vst.idx.msk $0xffff, v59;
	(pc) =	sbr.rel @p0 .LBB2_14-.Ltmp12, $4  }
0x345: {  	s18 =	smul.u32 $0x700, s18;
	[tilespmem:v14+s13+$0x0] =	vst.idx.msk $0xffff, v61  }
0x346: {  	[tilespmem:v15+s13+$0x0] =	vst.idx.msk $0xffff, v63  }
0x347: {  	s18 =	sadd.s32 s4, s18;
	[tilespmem:v5+s13+$0x0] =	vst.idx.msk $0xffff, v4  }
0x348: {  	[hbm4b:s18+s2] =	stream.linear.scatter [tilespmem:s13], [sflag:$0x2], $0xE000, $0x38;
	[tilespmem:$0x1EB00] =	vst v63  }
0x349: {  	s16 =	sadd.s32 $0x1, s16  }
0x34a: {  	_ =	swait.ge [sflag:s14], $0xE000;
	p0 =	sne.s32 s16, s9  }
.Ltmp13:
0x34b: {  	[sflag:s14] =	ssyncset.done $0x0;
	(pc) =	sbr.rel @p0 .LBB2_1-.Ltmp13, $4  }
0x34c: {  	[sflag:s14] =	ssyncadd.s32 $0xFFFF2000  }
0x34d: {  	_ =	swait.ge [sflag:s15], $0xE000  }
0x34e: {  	[sflag:s15] =	ssyncset.done $0x0  }
0x34f: {  	[sflag:s15] =	ssyncadd.s32 $0xFFFF2000  }
0x350: {  	_ =	sfence.sel $0x180000  }
0x351: {  	[bflag:$0x0] =	sbarrier.arrive $0xFFFF  }
0x352: {  	p0 =	sne.s32 s0, $0x0;
	_ =	strace $0x90000047  }
0x353: {  	s0 =	sadd.s32 @!p0 $0x100000, s1;
	[bflag:$0x2] =	sbarrier.arrive $0xFFFF  }
0x354: {  	[sflag:s0] =	ssyncadd.tile.s32 @!p0 $0x1;
	_ =	shalt  }
.Lfunc_end2:
_tile_overlayer_lowered:
.L_overlay_start_2:
0x355: {  	(tag) =	ssettag $0x2  }
0x356: {  	s0 =	rddreg [dreg:$0x0];
	s2 =	stileid.u32  }
0x357: {  	s1 =	rddreg [dreg:$0x1];
	p0 =	sne.s32 s2, $0x0  }
0x358: {  	s3 =	rddreg [dreg:$0x2];
	[bflag:$0x3] =	sbarrier.arrive $0xFFFF;
	s2 =	simm.s32 @!p0 $0x1C03  }
0x359: {  	[timem:s3], [sflag:s2] =	dma.local @!p0 [hbm:s0], s1  }
0x35a: {  	s0 =	simm.s32 @!p0 $0x3  }
0x35b: {  	_ =	swait.ge @!p0 [sflag:s0], s1  }
0x35c: {  	s1 =	ssub.s32 @!p0 $0x0, s1;
	[sflag:s0] =	ssyncset.done @!p0 $0x0  }
0x35d: {  	[sflag:s0] =	ssyncadd.s32 @!p0 s1  }
0x35e: {  	[bflag:$0x3] =	sbarrier.arrive $0xFFFF  }
0x35f: {  	_ =	shalt  }

</sc_bundles>
